<compile_context>
chip_gen: v7x
topology: tpu7x:2x2x1
jax: 0.10.2.dev20260603
libtpu: 0.0.44.dev20260713+nightly
codegen_flags: <defaults>
</compile_context>

<pallas_src>
import functools
import math

import jax
import jax.numpy as jnp
from jax import lax
from jax.experimental import pallas as pl
from jax.experimental.pallas import tpu as pltpu
from jax.experimental.pallas import tpu_sc as plsc

D_MODEL = 64
SCALE = math.sqrt(D_MODEL)

NC = 2
NS = 16
NW = NC * NS

B0 = 4096
SEQ = 50
B_TOT = B0 * SEQ
B_PER_W = B_TOT // NW
I0_PER_W = B0 // NW

_mesh = plsc.VectorSubcoreMesh(core_axis_name="c", subcore_axis_name="s")


@functools.partial(
    pl.kernel,
    mesh=_mesh,
    out_type=jax.ShapeDtypeStruct((SEQ, D_MODEL, B0), jnp.float32),
    scratch_types=[
        pltpu.VMEM((B_PER_W,), jnp.int32),
        pltpu.VMEM((I0_PER_W,), jnp.int32),
        pltpu.VMEM((I0_PER_W,), jnp.int32),
        pltpu.VMEM((2, I0_PER_W, 128), jnp.float32),
        pltpu.VMEM((2, D_MODEL, 130), jnp.float32),
        pltpu.SemaphoreType.DMA,
        pltpu.SemaphoreType.DMA,
        pltpu.SemaphoreType.DMA,
    ],
    compiler_params=pltpu.CompilerParams(needs_layout_passes=False),
)
def _embed(x_hbm, table_hbm, out_hbm, xloc_v, idx0_v, idx1_v, gath_v,
           trans_v, xsem, gsem, osem):
    wid = lax.axis_index("s") * NC + lax.axis_index("c")
    base = pl.multiple_of(wid * B_PER_W, B_PER_W)
    c0 = pl.multiple_of(wid * I0_PER_W, I0_PER_W)
    iota = lax.iota(jnp.int32, 16)
    idxs = (idx0_v, idx1_v)

    pltpu.async_copy(x_hbm.at[pl.ds(base, B_PER_W)], xloc_v, xsem).wait()

    def start_gather(i1, b):
        def grp(g, c):
            pos = (g * 16 + iota) * SEQ + i1
            idxs[b][pl.ds(g * 16, 16)] = plsc.load_gather(xloc_v, [pos])
            return c

        lax.fori_loop(0, I0_PER_W // 16, grp, 0)
        pltpu.async_copy(table_hbm.at[idxs[b]], gath_v.at[b], gsem)

    def drain_gather(b):
        pltpu.make_async_copy(table_hbm.at[idxs[b]], gath_v.at[b], gsem
                              ).wait()

    def transpose_block(b):
        def grp(g, c):
            rows = g * 16 + iota

            @plsc.parallel_loop(0, 16, unroll=2)
            def rot(s):
                dsub = (iota + s) & 15
                for q in range(D_MODEL // 16):
                    d = q * 16 + dsub
                    vals = plsc.load_gather(gath_v.at[b], [rows, d])
                    plsc.store_scatter(trans_v.at[b], [d, rows], vals * SCALE)

            return c

        lax.fori_loop(0, I0_PER_W // 16, grp, 0)

    def store_out(i1, b):
        pltpu.async_copy(
            trans_v.at[b, :, pl.ds(0, 128)],
            out_hbm.at[i1, :, pl.ds(c0, 128)],
            osem,
        )

    def drain_out(i1, b):
        pltpu.make_async_copy(
            trans_v.at[b, :, pl.ds(0, 128)],
            out_hbm.at[i1, :, pl.ds(c0, 128)],
            osem,
        ).wait()

    start_gather(0, 0)

    def loop(h, carry):
        i1 = h * 2
        start_gather(i1 + 1, 1)
        drain_gather(0)
        lax.cond(h > 0, lambda: drain_out(i1 - 2, 0), lambda: None)
        transpose_block(0)
        store_out(i1, 0)
        lax.cond(i1 + 2 < SEQ, lambda: start_gather(i1 + 2, 0),
                 lambda: None)
        drain_gather(1)
        lax.cond(h > 0, lambda: drain_out(i1 - 1, 1), lambda: None)
        transpose_block(1)
        store_out(i1 + 1, 1)
        return carry

    lax.fori_loop(0, SEQ // 2, loop, 0)
    drain_out(SEQ - 2, 0)
    drain_out(SEQ - 1, 1)


def kernel(x, table):
    padded = jnp.pad(table, ((0, 0), (0, 128 - D_MODEL)))
    out = _embed(x.reshape(-1), padded)
    return out.transpose(2, 0, 1).reshape(x.shape + (D_MODEL,))

# --- scband reference (transcript-rebuilt; emitter-appended) ---
"""Pipeline reference for scband-embeddings-20040317403661 (READ-ONLY COPY).

The authoritative reference and input builder live on the scoring server;
editing this copy changes nothing except your own understanding.
"""

import jax, jax.numpy as jnp
import numpy as np
import math

VOCAB = 1000000
D_MODEL = 64

def setup_inputs(seed: int = 0) -> dict:
    key = jax.random.key(seed)
    k1, k2 = jax.random.split(key)
    x = jax.random.randint(k1, (4096, 50), 0, VOCAB, dtype=jnp.int64) if jax.config.jax_enable_x64 else jax.random.randint(k1, (4096, 50), 0, VOCAB, dtype=jnp.int32)
    table = jax.random.normal(k2, (VOCAB, D_MODEL), dtype=jnp.float32)
    return {"x": x, "table": table}

def reference(x, table):
    # nn.Embedding lookup followed by scaling with sqrt(d_model)
    emb = jnp.take(table, x, axis=0)
    return emb * math.sqrt(D_MODEL)

if __name__ == "__main__":
    import jax
    _d = setup_inputs()
    print(jax.jit(kernel)(*tuple(_d.values())))

</pallas_src>

<mosaic_0001>
#map = affine_map<(d0, d1) -> (0)>
#map1 = affine_map<(d0, d1) -> (0, 0)>
#map2 = affine_map<(d0, d1) -> (0, 0, 0)>
module attributes {stable_mosaic.version = 14 : i64} {
  func.func @_embed(%arg0: i32, %arg1: i32, %arg2: memref<204800xi32, #tpu.memory_space<hbm>>, %arg3: memref<1000000x128xf32, #tpu.memory_space<hbm>>, %arg4: memref<50x64x4096xf32, #tpu.memory_space<hbm>>, %arg5: memref<6400xi32, #tpu.memory_space<vmem>>, %arg6: memref<128xi32, #tpu.memory_space<vmem>>, %arg7: memref<128xi32, #tpu.memory_space<vmem>>, %arg8: memref<2x128x128xf32, #tpu.memory_space<vmem>>, %arg9: memref<2x64x130xf32, #tpu.memory_space<vmem>>, %arg10: memref<!tpu.dma_semaphore, #tpu.memory_space<semaphore_mem>>, %arg11: memref<!tpu.dma_semaphore, #tpu.memory_space<semaphore_mem>>, %arg12: memref<!tpu.dma_semaphore, #tpu.memory_space<semaphore_mem>>) attributes {dimension_semantics = [#tpu.dimension_semantics<core_parallel>, #tpu.dimension_semantics<subcore_parallel>], iteration_bounds = array<i64: 2, 16>, scalar_prefetch = 0 : i64, scratch_operands = 8 : i64, tpu.core_type = #tpu.core_type<sc_vector_subcore>, window_params = [{transform_indices = #map}, {transform_indices = #map1}, {transform_indices = #map2}]} {
    %mul3A = arith.constant 2 : i32
    %mul3A_0 = arith.muli %arg1, %mul3A : i32
    %add3A = arith.addi %mul3A_0, %arg0 : i32
    %mul3A_1 = arith.constant 6400 : i32
    %mul3A_2 = arith.muli %add3A, %mul3A_1 : i32
    %multiple_of3A = tpu.assume_multiple %mul3A_2, 6400 : i32
    %mul3A_3 = arith.constant 128 : i32
    %mul3A_4 = arith.muli %add3A, %mul3A_3 : i32
    %multiple_of3A_5 = tpu.assume_multiple %mul3A_4, 128 : i32
    %iota3A = tpu.iota {dimensions = array<i32: 0>} : vector<16xi32>
    %dma_start3A = tpu.memref_slice %arg2[%multiple_of3A] : memref<204800xi32, #tpu.memory_space<hbm>> -> memref<6400xi32, #tpu.memory_space<hbm>>
    %dma_start3A_6 = tpu.memref_slice %arg2[%multiple_of3A] : memref<204800xi32, #tpu.memory_space<hbm>> -> memref<6400xi32, #tpu.memory_space<hbm>>
    tpu.enqueue_dma source(%dma_start3A_6 : memref<6400xi32, #tpu.memory_space<hbm>>) target(%arg5 : memref<6400xi32, #tpu.memory_space<vmem>>) target_semaphore(%arg10 : memref<!tpu.dma_semaphore, #tpu.memory_space<semaphore_mem>>)
    %dma_wait3A = tpu.memref_slice %arg2[%multiple_of3A] : memref<204800xi32, #tpu.memory_space<hbm>> -> memref<6400xi32, #tpu.memory_space<hbm>>
    %dma_wait3A_7 = tpu.memref_slice %arg2[%multiple_of3A] : memref<204800xi32, #tpu.memory_space<hbm>> -> memref<6400xi32, #tpu.memory_space<hbm>>
    tpu.wait_dma2 semaphore(%arg10 : memref<!tpu.dma_semaphore, #tpu.memory_space<semaphore_mem>>) src(%dma_wait3A_7 : memref<6400xi32, #tpu.memory_space<hbm>>) dst(%arg5 : memref<6400xi32, #tpu.memory_space<vmem>>)
    %scan3A = arith.constant 0 : i32
    %scan3A_8 = arith.constant 0 : i32
    %scan3A_9 = arith.constant 8 : i32
    %scan3A_10 = arith.addi %scan3A_8, %scan3A_9 : i32
    %scan3A_11 = arith.constant 1 : i32
    scf.for %scan3A_59 = %scan3A_8 to %scan3A_10 step %scan3A_11  : i32 {
      %mul3A_60 = arith.constant 16 : i32
      %mul3A_61 = arith.muli %scan3A_59, %mul3A_60 : i32
      %add3A_62 = vector.broadcast %mul3A_61 : i32 to vector<16xi32>
      %add3A_63 = arith.addi %add3A_62, %iota3A : vector<16xi32>
      %mul3A_64 = arith.constant 50 : i32
      %mul3A_65 = vector.broadcast %mul3A_64 : i32 to vector<16xi32>
      %mul3A_66 = arith.muli %add3A_63, %mul3A_65 : vector<16xi32>
      %add3A_67 = arith.constant 0 : i32
      %add3A_68 = vector.broadcast %add3A_67 : i32 to vector<16xi32>
      %add3A_69 = arith.addi %mul3A_66, %add3A_68 : vector<16xi32>
      %gather3A = tpu.vector_load_idx %arg5[%add3A_69] : memref<6400xi32, #tpu.memory_space<vmem>>[vector<16xi32>], vector<16xi32>,
      %mul3A_70 = arith.constant 16 : i32
      %mul3A_71 = arith.muli %scan3A_59, %mul3A_70 : i32
      %swap3A = arith.index_cast %mul3A_71 : i32 to index
      %swap3A_72 = tpu.vector_load %arg6[%swap3A] {strides = array<i32>} : memref<128xi32, #tpu.memory_space<vmem>>, vector<16xi32>,
      tpu.vector_store %arg6[%swap3A], %gather3A {strides = array<i32>} : memref<128xi32, #tpu.memory_space<vmem>>, vector<16xi32>,
    }
    %scan3A_12 = arith.constant 8 : i32
    %dma_start3A_13 = arith.constant 0 : i32
    %dma_start3A_14 = arith.constant 0 : i32
    %dma_start3A_15 = arith.constant 0 : i32
    %dma_start3A_16 = tpu.memref_slice %arg8[%dma_start3A_13, %dma_start3A_14, %dma_start3A_15] : memref<2x128x128xf32, #tpu.memory_space<vmem>> -> memref<1x128x128xf32, #tpu.memory_space<vmem>>
    %dma_start3A_17 = tpu.memref_squeeze %dma_start3A_16 : memref<1x128x128xf32, #tpu.memory_space<vmem>> -> memref<128x128xf32, #tpu.memory_space<vmem>>
    %dma_start3A_18 = arith.constant 0 : i32
    %dma_start3A_19 = arith.constant 0 : i32
    %dma_start3A_20 = tpu.memref_slice %arg3[%dma_start3A_18, %dma_start3A_19] : memref<1000000x128xf32, #tpu.memory_space<hbm>> -> memref<1000000x128xf32, #tpu.memory_space<hbm>>
    tpu.enqueue_indirect_dma source(%dma_start3A_20 : memref<1000000x128xf32, #tpu.memory_space<hbm>>) target(%dma_start3A_17 : memref<128x128xf32, #tpu.memory_space<vmem>>) offsets(%arg6 : memref<128xi32, #tpu.memory_space<vmem>>) semaphore(%arg11 : memref<!tpu.dma_semaphore, #tpu.memory_space<semaphore_mem>>)
    %scan3A_21 = arith.constant 0 : i32
    %scan3A_22 = arith.constant 0 : i32
    %scan3A_23 = arith.constant 25 : i32
    %scan3A_24 = arith.addi %scan3A_22, %scan3A_23 : i32
    %scan3A_25 = arith.constant 1 : i32
    scf.for %scan3A_59 = %scan3A_22 to %scan3A_24 step %scan3A_25  : i32 {
      %mul3A_60 = arith.constant 2 : i32
      %mul3A_61 = arith.muli %scan3A_59, %mul3A_60 : i32
      %add3A_62 = arith.constant 1 : i32
      %add3A_63 = arith.addi %mul3A_61, %add3A_62 : i32
      %scan3A_64 = arith.constant 0 : i32
      %scan3A_65 = arith.constant 0 : i32
      %scan3A_66 = arith.constant 8 : i32
      %scan3A_67 = arith.addi %scan3A_65, %scan3A_66 : i32
      %scan3A_68 = arith.constant 1 : i32
      scf.for %scan3A_151 = %scan3A_65 to %scan3A_67 step %scan3A_68  : i32 {
        %mul3A_152 = arith.constant 16 : i32
        %mul3A_153 = arith.muli %scan3A_151, %mul3A_152 : i32
        %add3A_154 = vector.broadcast %mul3A_153 : i32 to vector<16xi32>
        %add3A_155 = arith.addi %add3A_154, %iota3A : vector<16xi32>
        %mul3A_156 = arith.constant 50 : i32
        %mul3A_157 = vector.broadcast %mul3A_156 : i32 to vector<16xi32>
        %mul3A_158 = arith.muli %add3A_155, %mul3A_157 : vector<16xi32>
        %add3A_159 = vector.broadcast %add3A_63 : i32 to vector<16xi32>
        %add3A_160 = arith.addi %mul3A_158, %add3A_159 : vector<16xi32>
        %gather3A = tpu.vector_load_idx %arg5[%add3A_160] : memref<6400xi32, #tpu.memory_space<vmem>>[vector<16xi32>], vector<16xi32>,
        %mul3A_161 = arith.constant 16 : i32
        %mul3A_162 = arith.muli %scan3A_151, %mul3A_161 : i32
        %swap3A = arith.index_cast %mul3A_162 : i32 to index
        %swap3A_163 = tpu.vector_load %arg7[%swap3A] {strides = array<i32>} : memref<128xi32, #tpu.memory_space<vmem>>, vector<16xi32>,
        tpu.vector_store %arg7[%swap3A], %gather3A {strides = array<i32>} : memref<128xi32, #tpu.memory_space<vmem>>, vector<16xi32>,
      }
      %scan3A_69 = arith.constant 8 : i32
      %dma_start3A_70 = arith.constant 1 : i32
      %dma_start3A_71 = arith.constant 0 : i32
      %dma_start3A_72 = arith.constant 0 : i32
      %dma_start3A_73 = tpu.memref_slice %arg8[%dma_start3A_70, %dma_start3A_71, %dma_start3A_72] : memref<2x128x128xf32, #tpu.memory_space<vmem>> -> memref<1x128x128xf32, #tpu.memory_space<vmem>>
      %dma_start3A_74 = tpu.memref_squeeze %dma_start3A_73 : memref<1x128x128xf32, #tpu.memory_space<vmem>> -> memref<128x128xf32, #tpu.memory_space<vmem>>
      %dma_start3A_75 = arith.constant 0 : i32
      %dma_start3A_76 = arith.constant 0 : i32
      %dma_start3A_77 = tpu.memref_slice %arg3[%dma_start3A_75, %dma_start3A_76] : memref<1000000x128xf32, #tpu.memory_space<hbm>> -> memref<1000000x128xf32, #tpu.memory_space<hbm>>
      tpu.enqueue_indirect_dma source(%dma_start3A_77 : memref<1000000x128xf32, #tpu.memory_space<hbm>>) target(%dma_start3A_74 : memref<128x128xf32, #tpu.memory_space<vmem>>) offsets(%arg7 : memref<128xi32, #tpu.memory_space<vmem>>) semaphore(%arg11 : memref<!tpu.dma_semaphore, #tpu.memory_space<semaphore_mem>>)
      %dma_wait3A_78 = arith.constant 0 : i32
      %dma_wait3A_79 = arith.constant 0 : i32
      %dma_wait3A_80 = arith.constant 0 : i32
      %dma_wait3A_81 = tpu.memref_slice %arg8[%dma_wait3A_78, %dma_wait3A_79, %dma_wait3A_80] : memref<2x128x128xf32, #tpu.memory_space<vmem>> -> memref<1x128x128xf32, #tpu.memory_space<vmem>>
      %dma_wait3A_82 = tpu.memref_squeeze %dma_wait3A_81 : memref<1x128x128xf32, #tpu.memory_space<vmem>> -> memref<128x128xf32, #tpu.memory_space<vmem>>
      %dma_wait3A_83 = arith.constant 0 : i32
      %dma_wait3A_84 = arith.constant 0 : i32
      %dma_wait3A_85 = tpu.memref_slice %arg3[%dma_wait3A_83, %dma_wait3A_84] : memref<1000000x128xf32, #tpu.memory_space<hbm>> -> memref<1000000x128xf32, #tpu.memory_space<hbm>>
      tpu.wait_indirect_dma semaphore(%arg11 : memref<!tpu.dma_semaphore, #tpu.memory_space<semaphore_mem>>) src(%dma_wait3A_85 : memref<1000000x128xf32, #tpu.memory_space<hbm>>) dst(%dma_wait3A_82 : memref<128x128xf32, #tpu.memory_space<vmem>>)
      %gt3A = arith.constant 0 : i32
      %gt3A_86 = arith.cmpi sgt, %scan3A_59, %gt3A : i32
      %convert_element_type3A = arith.extui %gt3A_86 : i1 to i32
      %cond3A = arith.constant 0 : i32
      %cond3A_87 = arith.cmpi ne, %convert_element_type3A, %cond3A : i32
      scf.if %cond3A_87 {
        %sub3A = arith.constant 2 : i32
        %sub3A_151 = arith.subi %mul3A_61, %sub3A : i32
        %dma_wait3A_152 = arith.constant 0 : i32
        %dma_wait3A_153 = arith.constant 0 : i32
        %dma_wait3A_154 = arith.constant 0 : i32
        %dma_wait3A_155 = tpu.memref_slice %arg9[%dma_wait3A_152, %dma_wait3A_153, %dma_wait3A_154] : memref<2x64x130xf32, #tpu.memory_space<vmem>> -> memref<1x64x128xf32, #tpu.memory_space<vmem>>
        %dma_wait3A_156 = tpu.memref_squeeze %dma_wait3A_155 : memref<1x64x128xf32, #tpu.memory_space<vmem>> -> memref<64x128xf32, #tpu.memory_space<vmem>>
        %dma_wait3A_157 = arith.constant 0 : i32
        %dma_wait3A_158 = tpu.memref_slice %arg4[%sub3A_151, %dma_wait3A_157, %multiple_of3A_5] : memref<50x64x4096xf32, #tpu.memory_space<hbm>> -> memref<1x64x128xf32, #tpu.memory_space<hbm>>
        %dma_wait3A_159 = tpu.memref_squeeze %dma_wait3A_158 : memref<1x64x128xf32, #tpu.memory_space<hbm>> -> memref<64x128xf32, #tpu.memory_space<hbm>>
        %dma_wait3A_160 = arith.constant 0 : i32
        %dma_wait3A_161 = tpu.memref_slice %arg4[%sub3A_151, %dma_wait3A_160, %multiple_of3A_5] : memref<50x64x4096xf32, #tpu.memory_space<hbm>> -> memref<1x64x128xf32, #tpu.memory_space<hbm>>
        %dma_wait3A_162 = tpu.memref_squeeze %dma_wait3A_161 : memref<1x64x128xf32, #tpu.memory_space<hbm>> -> memref<64x128xf32, #tpu.memory_space<hbm>>
        %dma_wait3A_163 = arith.constant 0 : i32
        %dma_wait3A_164 = arith.constant 0 : i32
        %dma_wait3A_165 = tpu.memref_slice %arg9[%dma_wait3A_152, %dma_wait3A_163, %dma_wait3A_164] : memref<2x64x130xf32, #tpu.memory_space<vmem>> -> memref<1x64x128xf32, #tpu.memory_space<vmem>>
        %dma_wait3A_166 = tpu.memref_squeeze %dma_wait3A_165 : memref<1x64x128xf32, #tpu.memory_space<vmem>> -> memref<64x128xf32, #tpu.memory_space<vmem>>
        tpu.wait_dma2 semaphore(%arg12 : memref<!tpu.dma_semaphore, #tpu.memory_space<semaphore_mem>>) src(%dma_wait3A_166 : memref<64x128xf32, #tpu.memory_space<vmem>>) dst(%dma_wait3A_162 : memref<64x128xf32, #tpu.memory_space<hbm>>)
      } else {
      }
      %scan3A_88 = arith.constant 0 : i32
      %scan3A_89 = arith.constant 0 : i32
      %scan3A_90 = arith.constant 8 : i32
      %scan3A_91 = arith.addi %scan3A_89, %scan3A_90 : i32
      %scan3A_92 = arith.constant 1 : i32
      scf.for %scan3A_151 = %scan3A_89 to %scan3A_91 step %scan3A_92  : i32 {
        %mul3A_152 = arith.constant 16 : i32
        %mul3A_153 = arith.muli %scan3A_151, %mul3A_152 : i32
        %add3A_154 = vector.broadcast %mul3A_153 : i32 to vector<16xi32>
        %add3A_155 = arith.addi %add3A_154, %iota3A : vector<16xi32>
        %parallel_loop3A = arith.constant 0 : i32
        %parallel_loop3A_156 = arith.constant 16 : i32
        %parallel_loop3A_157 = arith.constant 1 : i32
        scf.for %parallel_loop3A_158 = %parallel_loop3A to %parallel_loop3A_156 step %parallel_loop3A_157  : i32 {
          %parallel_loop3A_159 = vector.broadcast %parallel_loop3A_158 : i32 to vector<16xi32>
          %parallel_loop3A_160 = arith.addi %iota3A, %parallel_loop3A_159 : vector<16xi32>
          %parallel_loop3A_161 = arith.constant 15 : i32
          %parallel_loop3A_162 = vector.broadcast %parallel_loop3A_161 : i32 to vector<16xi32>
          %parallel_loop3A_163 = arith.andi %parallel_loop3A_160, %parallel_loop3A_162 : vector<16xi32>
          %parallel_loop3A_164 = arith.constant 0 : i32
          %parallel_loop3A_165 = vector.broadcast %parallel_loop3A_164 : i32 to vector<16xi32>
          %parallel_loop3A_166 = arith.addi %parallel_loop3A_165, %parallel_loop3A_163 : vector<16xi32>
          %parallel_loop3A_167 = arith.constant 0 : i32
          %parallel_loop3A_168 = arith.constant 0 : i32
          %parallel_loop3A_169 = arith.constant 0 : i32
          %parallel_loop3A_170 = tpu.memref_slice %arg8[%parallel_loop3A_167, %parallel_loop3A_168, %parallel_loop3A_169] : memref<2x128x128xf32, #tpu.memory_space<vmem>> -> memref<1x128x128xf32, #tpu.memory_space<vmem>>
          %parallel_loop3A_171 = tpu.memref_squeeze %parallel_loop3A_170 : memref<1x128x128xf32, #tpu.memory_space<vmem>> -> memref<128x128xf32, #tpu.memory_space<vmem>>
          %parallel_loop3A_172 = tpu.vector_load_idx %parallel_loop3A_171[%add3A_155, %parallel_loop3A_166] : memref<128x128xf32, #tpu.memory_space<vmem>>[vector<16xi32>, vector<16xi32>], vector<16xf32>,
          %parallel_loop3A_173 = arith.constant 8.000000e+00 : f32
          %parallel_loop3A_174 = vector.broadcast %parallel_loop3A_173 : f32 to vector<16xf32>
          %parallel_loop3A_175 = arith.mulf %parallel_loop3A_172, %parallel_loop3A_174 : vector<16xf32>
          %parallel_loop3A_176 = arith.constant 0 : i32
          %parallel_loop3A_177 = arith.constant 0 : i32
          %parallel_loop3A_178 = arith.constant 0 : i32
          %parallel_loop3A_179 = tpu.memref_slice %arg9[%parallel_loop3A_176, %parallel_loop3A_177, %parallel_loop3A_178] : memref<2x64x130xf32, #tpu.memory_space<vmem>> -> memref<1x64x130xf32, #tpu.memory_space<vmem>>
          %parallel_loop3A_180 = tpu.memref_squeeze %parallel_loop3A_179 : memref<1x64x130xf32, #tpu.memory_space<vmem>> -> memref<64x130xf32, #tpu.memory_space<vmem>>
          tpu.vector_store_idx %parallel_loop3A_180[%parallel_loop3A_166, %add3A_155], %parallel_loop3A_175 : memref<64x130xf32, #tpu.memory_space<vmem>>[vector<16xi32>, vector<16xi32>], vector<16xf32>,
          %parallel_loop3A_181 = arith.constant 16 : i32
          %parallel_loop3A_182 = vector.broadcast %parallel_loop3A_181 : i32 to vector<16xi32>
          %parallel_loop3A_183 = arith.addi %parallel_loop3A_182, %parallel_loop3A_163 : vector<16xi32>
          %parallel_loop3A_184 = arith.constant 0 : i32
          %parallel_loop3A_185 = arith.constant 0 : i32
          %parallel_loop3A_186 = arith.constant 0 : i32
          %parallel_loop3A_187 = tpu.memref_slice %arg8[%parallel_loop3A_184, %parallel_loop3A_185, %parallel_loop3A_186] : memref<2x128x128xf32, #tpu.memory_space<vmem>> -> memref<1x128x128xf32, #tpu.memory_space<vmem>>
          %parallel_loop3A_188 = tpu.memref_squeeze %parallel_loop3A_187 : memref<1x128x128xf32, #tpu.memory_space<vmem>> -> memref<128x128xf32, #tpu.memory_space<vmem>>
          %parallel_loop3A_189 = tpu.vector_load_idx %parallel_loop3A_188[%add3A_155, %parallel_loop3A_183] : memref<128x128xf32, #tpu.memory_space<vmem>>[vector<16xi32>, vector<16xi32>], vector<16xf32>,
          %parallel_loop3A_190 = arith.constant 8.000000e+00 : f32
          %parallel_loop3A_191 = vector.broadcast %parallel_loop3A_190 : f32 to vector<16xf32>
          %parallel_loop3A_192 = arith.mulf %parallel_loop3A_189, %parallel_loop3A_191 : vector<16xf32>
          %parallel_loop3A_193 = arith.constant 0 : i32
          %parallel_loop3A_194 = arith.constant 0 : i32
          %parallel_loop3A_195 = arith.constant 0 : i32
          %parallel_loop3A_196 = tpu.memref_slice %arg9[%parallel_loop3A_193, %parallel_loop3A_194, %parallel_loop3A_195] : memref<2x64x130xf32, #tpu.memory_space<vmem>> -> memref<1x64x130xf32, #tpu.memory_space<vmem>>
          %parallel_loop3A_197 = tpu.memref_squeeze %parallel_loop3A_196 : memref<1x64x130xf32, #tpu.memory_space<vmem>> -> memref<64x130xf32, #tpu.memory_space<vmem>>
          tpu.vector_store_idx %parallel_loop3A_197[%parallel_loop3A_183, %add3A_155], %parallel_loop3A_192 : memref<64x130xf32, #tpu.memory_space<vmem>>[vector<16xi32>, vector<16xi32>], vector<16xf32>,
          %parallel_loop3A_198 = arith.constant 32 : i32
          %parallel_loop3A_199 = vector.broadcast %parallel_loop3A_198 : i32 to vector<16xi32>
          %parallel_loop3A_200 = arith.addi %parallel_loop3A_199, %parallel_loop3A_163 : vector<16xi32>
          %parallel_loop3A_201 = arith.constant 0 : i32
          %parallel_loop3A_202 = arith.constant 0 : i32
          %parallel_loop3A_203 = arith.constant 0 : i32
          %parallel_loop3A_204 = tpu.memref_slice %arg8[%parallel_loop3A_201, %parallel_loop3A_202, %parallel_loop3A_203] : memref<2x128x128xf32, #tpu.memory_space<vmem>> -> memref<1x128x128xf32, #tpu.memory_space<vmem>>
          %parallel_loop3A_205 = tpu.memref_squeeze %parallel_loop3A_204 : memref<1x128x128xf32, #tpu.memory_space<vmem>> -> memref<128x128xf32, #tpu.memory_space<vmem>>
          %parallel_loop3A_206 = tpu.vector_load_idx %parallel_loop3A_205[%add3A_155, %parallel_loop3A_200] : memref<128x128xf32, #tpu.memory_space<vmem>>[vector<16xi32>, vector<16xi32>], vector<16xf32>,
          %parallel_loop3A_207 = arith.constant 8.000000e+00 : f32
          %parallel_loop3A_208 = vector.broadcast %parallel_loop3A_207 : f32 to vector<16xf32>
          %parallel_loop3A_209 = arith.mulf %parallel_loop3A_206, %parallel_loop3A_208 : vector<16xf32>
          %parallel_loop3A_210 = arith.constant 0 : i32
          %parallel_loop3A_211 = arith.constant 0 : i32
          %parallel_loop3A_212 = arith.constant 0 : i32
          %parallel_loop3A_213 = tpu.memref_slice %arg9[%parallel_loop3A_210, %parallel_loop3A_211, %parallel_loop3A_212] : memref<2x64x130xf32, #tpu.memory_space<vmem>> -> memref<1x64x130xf32, #tpu.memory_space<vmem>>
          %parallel_loop3A_214 = tpu.memref_squeeze %parallel_loop3A_213 : memref<1x64x130xf32, #tpu.memory_space<vmem>> -> memref<64x130xf32, #tpu.memory_space<vmem>>
          tpu.vector_store_idx %parallel_loop3A_214[%parallel_loop3A_200, %add3A_155], %parallel_loop3A_209 : memref<64x130xf32, #tpu.memory_space<vmem>>[vector<16xi32>, vector<16xi32>], vector<16xf32>,
          %parallel_loop3A_215 = arith.constant 48 : i32
          %parallel_loop3A_216 = vector.broadcast %parallel_loop3A_215 : i32 to vector<16xi32>
          %parallel_loop3A_217 = arith.addi %parallel_loop3A_216, %parallel_loop3A_163 : vector<16xi32>
          %parallel_loop3A_218 = arith.constant 0 : i32
          %parallel_loop3A_219 = arith.constant 0 : i32
          %parallel_loop3A_220 = arith.constant 0 : i32
          %parallel_loop3A_221 = tpu.memref_slice %arg8[%parallel_loop3A_218, %parallel_loop3A_219, %parallel_loop3A_220] : memref<2x128x128xf32, #tpu.memory_space<vmem>> -> memref<1x128x128xf32, #tpu.memory_space<vmem>>
          %parallel_loop3A_222 = tpu.memref_squeeze %parallel_loop3A_221 : memref<1x128x128xf32, #tpu.memory_space<vmem>> -> memref<128x128xf32, #tpu.memory_space<vmem>>
          %parallel_loop3A_223 = tpu.vector_load_idx %parallel_loop3A_222[%add3A_155, %parallel_loop3A_217] : memref<128x128xf32, #tpu.memory_space<vmem>>[vector<16xi32>, vector<16xi32>], vector<16xf32>,
          %parallel_loop3A_224 = arith.constant 8.000000e+00 : f32
          %parallel_loop3A_225 = vector.broadcast %parallel_loop3A_224 : f32 to vector<16xf32>
          %parallel_loop3A_226 = arith.mulf %parallel_loop3A_223, %parallel_loop3A_225 : vector<16xf32>
          %parallel_loop3A_227 = arith.constant 0 : i32
          %parallel_loop3A_228 = arith.constant 0 : i32
          %parallel_loop3A_229 = arith.constant 0 : i32
          %parallel_loop3A_230 = tpu.memref_slice %arg9[%parallel_loop3A_227, %parallel_loop3A_228, %parallel_loop3A_229] : memref<2x64x130xf32, #tpu.memory_space<vmem>> -> memref<1x64x130xf32, #tpu.memory_space<vmem>>
          %parallel_loop3A_231 = tpu.memref_squeeze %parallel_loop3A_230 : memref<1x64x130xf32, #tpu.memory_space<vmem>> -> memref<64x130xf32, #tpu.memory_space<vmem>>
          tpu.vector_store_idx %parallel_loop3A_231[%parallel_loop3A_217, %add3A_155], %parallel_loop3A_226 : memref<64x130xf32, #tpu.memory_space<vmem>>[vector<16xi32>, vector<16xi32>], vector<16xf32>,
        } {sc.loop_unroll_factor = 2 : i64, sc.parallel_access}
      }
      %scan3A_93 = arith.constant 8 : i32
      %dma_start3A_94 = arith.constant 0 : i32
      %dma_start3A_95 = arith.constant 0 : i32
      %dma_start3A_96 = arith.constant 0 : i32
      %dma_start3A_97 = tpu.memref_slice %arg9[%dma_start3A_94, %dma_start3A_95, %dma_start3A_96] : memref<2x64x130xf32, #tpu.memory_space<vmem>> -> memref<1x64x128xf32, #tpu.memory_space<vmem>>
      %dma_start3A_98 = tpu.memref_squeeze %dma_start3A_97 : memref<1x64x128xf32, #tpu.memory_space<vmem>> -> memref<64x128xf32, #tpu.memory_space<vmem>>
      %dma_start3A_99 = arith.constant 0 : i32
      %dma_start3A_100 = tpu.memref_slice %arg4[%mul3A_61, %dma_start3A_99, %multiple_of3A_5] : memref<50x64x4096xf32, #tpu.memory_space<hbm>> -> memref<1x64x128xf32, #tpu.memory_space<hbm>>
      %dma_start3A_101 = tpu.memref_squeeze %dma_start3A_100 : memref<1x64x128xf32, #tpu.memory_space<hbm>> -> memref<64x128xf32, #tpu.memory_space<hbm>>
      %dma_start3A_102 = arith.constant 0 : i32
      %dma_start3A_103 = tpu.memref_slice %arg4[%mul3A_61, %dma_start3A_102, %multiple_of3A_5] : memref<50x64x4096xf32, #tpu.memory_space<hbm>> -> memref<1x64x128xf32, #tpu.memory_space<hbm>>
      %dma_start3A_104 = tpu.memref_squeeze %dma_start3A_103 : memref<1x64x128xf32, #tpu.memory_space<hbm>> -> memref<64x128xf32, #tpu.memory_space<hbm>>
      %dma_start3A_105 = arith.constant 0 : i32
      %dma_start3A_106 = arith.constant 0 : i32
      %dma_start3A_107 = tpu.memref_slice %arg9[%dma_start3A_94, %dma_start3A_105, %dma_start3A_106] : memref<2x64x130xf32, #tpu.memory_space<vmem>> -> memref<1x64x128xf32, #tpu.memory_space<vmem>>
      %dma_start3A_108 = tpu.memref_squeeze %dma_start3A_107 : memref<1x64x128xf32, #tpu.memory_space<vmem>> -> memref<64x128xf32, #tpu.memory_space<vmem>>
      tpu.enqueue_dma source(%dma_start3A_108 : memref<64x128xf32, #tpu.memory_space<vmem>>) target(%dma_start3A_104 : memref<64x128xf32, #tpu.memory_space<hbm>>) target_semaphore(%arg12 : memref<!tpu.dma_semaphore, #tpu.memory_space<semaphore_mem>>)
      %add3A_109 = arith.constant 2 : i32
      %add3A_110 = arith.addi %mul3A_61, %add3A_109 : i32
      %lt3A = arith.constant 50 : i32
      %lt3A_111 = arith.cmpi slt, %add3A_110, %lt3A : i32
      %convert_element_type3A_112 = arith.extui %lt3A_111 : i1 to i32
      %cond3A_113 = arith.constant 0 : i32
      %cond3A_114 = arith.cmpi ne, %convert_element_type3A_112, %cond3A_113 : i32
      scf.if %cond3A_114 {
        %add3A_151 = arith.constant 2 : i32
        %add3A_152 = arith.addi %mul3A_61, %add3A_151 : i32
        %scan3A_153 = arith.constant 0 : i32
        %scan3A_154 = arith.constant 0 : i32
        %scan3A_155 = arith.constant 8 : i32
        %scan3A_156 = arith.addi %scan3A_154, %scan3A_155 : i32
        %scan3A_157 = arith.constant 1 : i32
        scf.for %scan3A_167 = %scan3A_154 to %scan3A_156 step %scan3A_157  : i32 {
          %mul3A_168 = arith.constant 16 : i32
          %mul3A_169 = arith.muli %scan3A_167, %mul3A_168 : i32
          %add3A_170 = vector.broadcast %mul3A_169 : i32 to vector<16xi32>
          %add3A_171 = arith.addi %add3A_170, %iota3A : vector<16xi32>
          %mul3A_172 = arith.constant 50 : i32
          %mul3A_173 = vector.broadcast %mul3A_172 : i32 to vector<16xi32>
          %mul3A_174 = arith.muli %add3A_171, %mul3A_173 : vector<16xi32>
          %add3A_175 = vector.broadcast %add3A_152 : i32 to vector<16xi32>
          %add3A_176 = arith.addi %mul3A_174, %add3A_175 : vector<16xi32>
          %gather3A = tpu.vector_load_idx %arg5[%add3A_176] : memref<6400xi32, #tpu.memory_space<vmem>>[vector<16xi32>], vector<16xi32>,
          %mul3A_177 = arith.constant 16 : i32
          %mul3A_178 = arith.muli %scan3A_167, %mul3A_177 : i32
          %swap3A = arith.index_cast %mul3A_178 : i32 to index
          %swap3A_179 = tpu.vector_load %arg6[%swap3A] {strides = array<i32>} : memref<128xi32, #tpu.memory_space<vmem>>, vector<16xi32>,
          tpu.vector_store %arg6[%swap3A], %gather3A {strides = array<i32>} : memref<128xi32, #tpu.memory_space<vmem>>, vector<16xi32>,
        }
        %scan3A_158 = arith.constant 8 : i32
        %dma_start3A_159 = arith.constant 0 : i32
        %dma_start3A_160 = arith.constant 0 : i32
        %dma_start3A_161 = arith.constant 0 : i32
        %dma_start3A_162 = tpu.memref_slice %arg8[%dma_start3A_159, %dma_start3A_160, %dma_start3A_161] : memref<2x128x128xf32, #tpu.memory_space<vmem>> -> memref<1x128x128xf32, #tpu.memory_space<vmem>>
        %dma_start3A_163 = tpu.memref_squeeze %dma_start3A_162 : memref<1x128x128xf32, #tpu.memory_space<vmem>> -> memref<128x128xf32, #tpu.memory_space<vmem>>
        %dma_start3A_164 = arith.constant 0 : i32
        %dma_start3A_165 = arith.constant 0 : i32
        %dma_start3A_166 = tpu.memref_slice %arg3[%dma_start3A_164, %dma_start3A_165] : memref<1000000x128xf32, #tpu.memory_space<hbm>> -> memref<1000000x128xf32, #tpu.memory_space<hbm>>
        tpu.enqueue_indirect_dma source(%dma_start3A_166 : memref<1000000x128xf32, #tpu.memory_space<hbm>>) target(%dma_start3A_163 : memref<128x128xf32, #tpu.memory_space<vmem>>) offsets(%arg6 : memref<128xi32, #tpu.memory_space<vmem>>) semaphore(%arg11 : memref<!tpu.dma_semaphore, #tpu.memory_space<semaphore_mem>>)
      } else {
      }
      %dma_wait3A_115 = arith.constant 1 : i32
      %dma_wait3A_116 = arith.constant 0 : i32
      %dma_wait3A_117 = arith.constant 0 : i32
      %dma_wait3A_118 = tpu.memref_slice %arg8[%dma_wait3A_115, %dma_wait3A_116, %dma_wait3A_117] : memref<2x128x128xf32, #tpu.memory_space<vmem>> -> memref<1x128x128xf32, #tpu.memory_space<vmem>>
      %dma_wait3A_119 = tpu.memref_squeeze %dma_wait3A_118 : memref<1x128x128xf32, #tpu.memory_space<vmem>> -> memref<128x128xf32, #tpu.memory_space<vmem>>
      %dma_wait3A_120 = arith.constant 0 : i32
      %dma_wait3A_121 = arith.constant 0 : i32
      %dma_wait3A_122 = tpu.memref_slice %arg3[%dma_wait3A_120, %dma_wait3A_121] : memref<1000000x128xf32, #tpu.memory_space<hbm>> -> memref<1000000x128xf32, #tpu.memory_space<hbm>>
      tpu.wait_indirect_dma semaphore(%arg11 : memref<!tpu.dma_semaphore, #tpu.memory_space<semaphore_mem>>) src(%dma_wait3A_122 : memref<1000000x128xf32, #tpu.memory_space<hbm>>) dst(%dma_wait3A_119 : memref<128x128xf32, #tpu.memory_space<vmem>>)
      %gt3A_123 = arith.constant 0 : i32
      %gt3A_124 = arith.cmpi sgt, %scan3A_59, %gt3A_123 : i32
      %convert_element_type3A_125 = arith.extui %gt3A_124 : i1 to i32
      %cond3A_126 = arith.constant 0 : i32
      %cond3A_127 = arith.cmpi ne, %convert_element_type3A_125, %cond3A_126 : i32
      scf.if %cond3A_127 {
        %sub3A = arith.constant 1 : i32
        %sub3A_151 = arith.subi %mul3A_61, %sub3A : i32
        %dma_wait3A_152 = arith.constant 1 : i32
        %dma_wait3A_153 = arith.constant 0 : i32
        %dma_wait3A_154 = arith.constant 0 : i32
        %dma_wait3A_155 = tpu.memref_slice %arg9[%dma_wait3A_152, %dma_wait3A_153, %dma_wait3A_154] : memref<2x64x130xf32, #tpu.memory_space<vmem>> -> memref<1x64x128xf32, #tpu.memory_space<vmem>>
        %dma_wait3A_156 = tpu.memref_squeeze %dma_wait3A_155 : memref<1x64x128xf32, #tpu.memory_space<vmem>> -> memref<64x128xf32, #tpu.memory_space<vmem>>
        %dma_wait3A_157 = arith.constant 0 : i32
        %dma_wait3A_158 = tpu.memref_slice %arg4[%sub3A_151, %dma_wait3A_157, %multiple_of3A_5] : memref<50x64x4096xf32, #tpu.memory_space<hbm>> -> memref<1x64x128xf32, #tpu.memory_space<hbm>>
        %dma_wait3A_159 = tpu.memref_squeeze %dma_wait3A_158 : memref<1x64x128xf32, #tpu.memory_space<hbm>> -> memref<64x128xf32, #tpu.memory_space<hbm>>
        %dma_wait3A_160 = arith.constant 0 : i32
        %dma_wait3A_161 = tpu.memref_slice %arg4[%sub3A_151, %dma_wait3A_160, %multiple_of3A_5] : memref<50x64x4096xf32, #tpu.memory_space<hbm>> -> memref<1x64x128xf32, #tpu.memory_space<hbm>>
        %dma_wait3A_162 = tpu.memref_squeeze %dma_wait3A_161 : memref<1x64x128xf32, #tpu.memory_space<hbm>> -> memref<64x128xf32, #tpu.memory_space<hbm>>
        %dma_wait3A_163 = arith.constant 0 : i32
        %dma_wait3A_164 = arith.constant 0 : i32
        %dma_wait3A_165 = tpu.memref_slice %arg9[%dma_wait3A_152, %dma_wait3A_163, %dma_wait3A_164] : memref<2x64x130xf32, #tpu.memory_space<vmem>> -> memref<1x64x128xf32, #tpu.memory_space<vmem>>
        %dma_wait3A_166 = tpu.memref_squeeze %dma_wait3A_165 : memref<1x64x128xf32, #tpu.memory_space<vmem>> -> memref<64x128xf32, #tpu.memory_space<vmem>>
        tpu.wait_dma2 semaphore(%arg12 : memref<!tpu.dma_semaphore, #tpu.memory_space<semaphore_mem>>) src(%dma_wait3A_166 : memref<64x128xf32, #tpu.memory_space<vmem>>) dst(%dma_wait3A_162 : memref<64x128xf32, #tpu.memory_space<hbm>>)
      } else {
      }
      %scan3A_128 = arith.constant 0 : i32
      %scan3A_129 = arith.constant 0 : i32
      %scan3A_130 = arith.constant 8 : i32
      %scan3A_131 = arith.addi %scan3A_129, %scan3A_130 : i32
      %scan3A_132 = arith.constant 1 : i32
      scf.for %scan3A_151 = %scan3A_129 to %scan3A_131 step %scan3A_132  : i32 {
        %mul3A_152 = arith.constant 16 : i32
        %mul3A_153 = arith.muli %scan3A_151, %mul3A_152 : i32
        %add3A_154 = vector.broadcast %mul3A_153 : i32 to vector<16xi32>
        %add3A_155 = arith.addi %add3A_154, %iota3A : vector<16xi32>
        %parallel_loop3A = arith.constant 0 : i32
        %parallel_loop3A_156 = arith.constant 16 : i32
        %parallel_loop3A_157 = arith.constant 1 : i32
        scf.for %parallel_loop3A_158 = %parallel_loop3A to %parallel_loop3A_156 step %parallel_loop3A_157  : i32 {
          %parallel_loop3A_159 = vector.broadcast %parallel_loop3A_158 : i32 to vector<16xi32>
          %parallel_loop3A_160 = arith.addi %iota3A, %parallel_loop3A_159 : vector<16xi32>
          %parallel_loop3A_161 = arith.constant 15 : i32
          %parallel_loop3A_162 = vector.broadcast %parallel_loop3A_161 : i32 to vector<16xi32>
          %parallel_loop3A_163 = arith.andi %parallel_loop3A_160, %parallel_loop3A_162 : vector<16xi32>
          %parallel_loop3A_164 = arith.constant 0 : i32
          %parallel_loop3A_165 = vector.broadcast %parallel_loop3A_164 : i32 to vector<16xi32>
          %parallel_loop3A_166 = arith.addi %parallel_loop3A_165, %parallel_loop3A_163 : vector<16xi32>
          %parallel_loop3A_167 = arith.constant 1 : i32
          %parallel_loop3A_168 = arith.constant 0 : i32
          %parallel_loop3A_169 = arith.constant 0 : i32
          %parallel_loop3A_170 = tpu.memref_slice %arg8[%parallel_loop3A_167, %parallel_loop3A_168, %parallel_loop3A_169] : memref<2x128x128xf32, #tpu.memory_space<vmem>> -> memref<1x128x128xf32, #tpu.memory_space<vmem>>
          %parallel_loop3A_171 = tpu.memref_squeeze %parallel_loop3A_170 : memref<1x128x128xf32, #tpu.memory_space<vmem>> -> memref<128x128xf32, #tpu.memory_space<vmem>>
          %parallel_loop3A_172 = tpu.vector_load_idx %parallel_loop3A_171[%add3A_155, %parallel_loop3A_166] : memref<128x128xf32, #tpu.memory_space<vmem>>[vector<16xi32>, vector<16xi32>], vector<16xf32>,
          %parallel_loop3A_173 = arith.constant 8.000000e+00 : f32
          %parallel_loop3A_174 = vector.broadcast %parallel_loop3A_173 : f32 to vector<16xf32>
          %parallel_loop3A_175 = arith.mulf %parallel_loop3A_172, %parallel_loop3A_174 : vector<16xf32>
          %parallel_loop3A_176 = arith.constant 1 : i32
          %parallel_loop3A_177 = arith.constant 0 : i32
          %parallel_loop3A_178 = arith.constant 0 : i32
          %parallel_loop3A_179 = tpu.memref_slice %arg9[%parallel_loop3A_176, %parallel_loop3A_177, %parallel_loop3A_178] : memref<2x64x130xf32, #tpu.memory_space<vmem>> -> memref<1x64x130xf32, #tpu.memory_space<vmem>>
          %parallel_loop3A_180 = tpu.memref_squeeze %parallel_loop3A_179 : memref<1x64x130xf32, #tpu.memory_space<vmem>> -> memref<64x130xf32, #tpu.memory_space<vmem>>
          tpu.vector_store_idx %parallel_loop3A_180[%parallel_loop3A_166, %add3A_155], %parallel_loop3A_175 : memref<64x130xf32, #tpu.memory_space<vmem>>[vector<16xi32>, vector<16xi32>], vector<16xf32>,
          %parallel_loop3A_181 = arith.constant 16 : i32
          %parallel_loop3A_182 = vector.broadcast %parallel_loop3A_181 : i32 to vector<16xi32>
          %parallel_loop3A_183 = arith.addi %parallel_loop3A_182, %parallel_loop3A_163 : vector<16xi32>
          %parallel_loop3A_184 = arith.constant 1 : i32
          %parallel_loop3A_185 = arith.constant 0 : i32
          %parallel_loop3A_186 = arith.constant 0 : i32
          %parallel_loop3A_187 = tpu.memref_slice %arg8[%parallel_loop3A_184, %parallel_loop3A_185, %parallel_loop3A_186] : memref<2x128x128xf32, #tpu.memory_space<vmem>> -> memref<1x128x128xf32, #tpu.memory_space<vmem>>
          %parallel_loop3A_188 = tpu.memref_squeeze %parallel_loop3A_187 : memref<1x128x128xf32, #tpu.memory_space<vmem>> -> memref<128x128xf32, #tpu.memory_space<vmem>>
          %parallel_loop3A_189 = tpu.vector_load_idx %parallel_loop3A_188[%add3A_155, %parallel_loop3A_183] : memref<128x128xf32, #tpu.memory_space<vmem>>[vector<16xi32>, vector<16xi32>], vector<16xf32>,
          %parallel_loop3A_190 = arith.constant 8.000000e+00 : f32
          %parallel_loop3A_191 = vector.broadcast %parallel_loop3A_190 : f32 to vector<16xf32>
          %parallel_loop3A_192 = arith.mulf %parallel_loop3A_189, %parallel_loop3A_191 : vector<16xf32>
          %parallel_loop3A_193 = arith.constant 1 : i32
          %parallel_loop3A_194 = arith.constant 0 : i32
          %parallel_loop3A_195 = arith.constant 0 : i32
          %parallel_loop3A_196 = tpu.memref_slice %arg9[%parallel_loop3A_193, %parallel_loop3A_194, %parallel_loop3A_195] : memref<2x64x130xf32, #tpu.memory_space<vmem>> -> memref<1x64x130xf32, #tpu.memory_space<vmem>>
          %parallel_loop3A_197 = tpu.memref_squeeze %parallel_loop3A_196 : memref<1x64x130xf32, #tpu.memory_space<vmem>> -> memref<64x130xf32, #tpu.memory_space<vmem>>
          tpu.vector_store_idx %parallel_loop3A_197[%parallel_loop3A_183, %add3A_155], %parallel_loop3A_192 : memref<64x130xf32, #tpu.memory_space<vmem>>[vector<16xi32>, vector<16xi32>], vector<16xf32>,
          %parallel_loop3A_198 = arith.constant 32 : i32
          %parallel_loop3A_199 = vector.broadcast %parallel_loop3A_198 : i32 to vector<16xi32>
          %parallel_loop3A_200 = arith.addi %parallel_loop3A_199, %parallel_loop3A_163 : vector<16xi32>
          %parallel_loop3A_201 = arith.constant 1 : i32
          %parallel_loop3A_202 = arith.constant 0 : i32
          %parallel_loop3A_203 = arith.constant 0 : i32
          %parallel_loop3A_204 = tpu.memref_slice %arg8[%parallel_loop3A_201, %parallel_loop3A_202, %parallel_loop3A_203] : memref<2x128x128xf32, #tpu.memory_space<vmem>> -> memref<1x128x128xf32, #tpu.memory_space<vmem>>
          %parallel_loop3A_205 = tpu.memref_squeeze %parallel_loop3A_204 : memref<1x128x128xf32, #tpu.memory_space<vmem>> -> memref<128x128xf32, #tpu.memory_space<vmem>>
          %parallel_loop3A_206 = tpu.vector_load_idx %parallel_loop3A_205[%add3A_155, %parallel_loop3A_200] : memref<128x128xf32, #tpu.memory_space<vmem>>[vector<16xi32>, vector<16xi32>], vector<16xf32>,
          %parallel_loop3A_207 = arith.constant 8.000000e+00 : f32
          %parallel_loop3A_208 = vector.broadcast %parallel_loop3A_207 : f32 to vector<16xf32>
          %parallel_loop3A_209 = arith.mulf %parallel_loop3A_206, %parallel_loop3A_208 : vector<16xf32>
          %parallel_loop3A_210 = arith.constant 1 : i32
          %parallel_loop3A_211 = arith.constant 0 : i32
          %parallel_loop3A_212 = arith.constant 0 : i32
          %parallel_loop3A_213 = tpu.memref_slice %arg9[%parallel_loop3A_210, %parallel_loop3A_211, %parallel_loop3A_212] : memref<2x64x130xf32, #tpu.memory_space<vmem>> -> memref<1x64x130xf32, #tpu.memory_space<vmem>>
          %parallel_loop3A_214 = tpu.memref_squeeze %parallel_loop3A_213 : memref<1x64x130xf32, #tpu.memory_space<vmem>> -> memref<64x130xf32, #tpu.memory_space<vmem>>
          tpu.vector_store_idx %parallel_loop3A_214[%parallel_loop3A_200, %add3A_155], %parallel_loop3A_209 : memref<64x130xf32, #tpu.memory_space<vmem>>[vector<16xi32>, vector<16xi32>], vector<16xf32>,
          %parallel_loop3A_215 = arith.constant 48 : i32
          %parallel_loop3A_216 = vector.broadcast %parallel_loop3A_215 : i32 to vector<16xi32>
          %parallel_loop3A_217 = arith.addi %parallel_loop3A_216, %parallel_loop3A_163 : vector<16xi32>
          %parallel_loop3A_218 = arith.constant 1 : i32
          %parallel_loop3A_219 = arith.constant 0 : i32
          %parallel_loop3A_220 = arith.constant 0 : i32
          %parallel_loop3A_221 = tpu.memref_slice %arg8[%parallel_loop3A_218, %parallel_loop3A_219, %parallel_loop3A_220] : memref<2x128x128xf32, #tpu.memory_space<vmem>> -> memref<1x128x128xf32, #tpu.memory_space<vmem>>
          %parallel_loop3A_222 = tpu.memref_squeeze %parallel_loop3A_221 : memref<1x128x128xf32, #tpu.memory_space<vmem>> -> memref<128x128xf32, #tpu.memory_space<vmem>>
          %parallel_loop3A_223 = tpu.vector_load_idx %parallel_loop3A_222[%add3A_155, %parallel_loop3A_217] : memref<128x128xf32, #tpu.memory_space<vmem>>[vector<16xi32>, vector<16xi32>], vector<16xf32>,
          %parallel_loop3A_224 = arith.constant 8.000000e+00 : f32
          %parallel_loop3A_225 = vector.broadcast %parallel_loop3A_224 : f32 to vector<16xf32>
          %parallel_loop3A_226 = arith.mulf %parallel_loop3A_223, %parallel_loop3A_225 : vector<16xf32>
          %parallel_loop3A_227 = arith.constant 1 : i32
          %parallel_loop3A_228 = arith.constant 0 : i32
          %parallel_loop3A_229 = arith.constant 0 : i32
          %parallel_loop3A_230 = tpu.memref_slice %arg9[%parallel_loop3A_227, %parallel_loop3A_228, %parallel_loop3A_229] : memref<2x64x130xf32, #tpu.memory_space<vmem>> -> memref<1x64x130xf32, #tpu.memory_space<vmem>>
          %parallel_loop3A_231 = tpu.memref_squeeze %parallel_loop3A_230 : memref<1x64x130xf32, #tpu.memory_space<vmem>> -> memref<64x130xf32, #tpu.memory_space<vmem>>
          tpu.vector_store_idx %parallel_loop3A_231[%parallel_loop3A_217, %add3A_155], %parallel_loop3A_226 : memref<64x130xf32, #tpu.memory_space<vmem>>[vector<16xi32>, vector<16xi32>], vector<16xf32>,
        } {sc.loop_unroll_factor = 2 : i64, sc.parallel_access}
      }
      %scan3A_133 = arith.constant 8 : i32
      %add3A_134 = arith.constant 1 : i32
      %add3A_135 = arith.addi %mul3A_61, %add3A_134 : i32
      %dma_start3A_136 = arith.constant 1 : i32
      %dma_start3A_137 = arith.constant 0 : i32
      %dma_start3A_138 = arith.constant 0 : i32
      %dma_start3A_139 = tpu.memref_slice %arg9[%dma_start3A_136, %dma_start3A_137, %dma_start3A_138] : memref<2x64x130xf32, #tpu.memory_space<vmem>> -> memref<1x64x128xf32, #tpu.memory_space<vmem>>
      %dma_start3A_140 = tpu.memref_squeeze %dma_start3A_139 : memref<1x64x128xf32, #tpu.memory_space<vmem>> -> memref<64x128xf32, #tpu.memory_space<vmem>>
      %dma_start3A_141 = arith.constant 0 : i32
      %dma_start3A_142 = tpu.memref_slice %arg4[%add3A_135, %dma_start3A_141, %multiple_of3A_5] : memref<50x64x4096xf32, #tpu.memory_space<hbm>> -> memref<1x64x128xf32, #tpu.memory_space<hbm>>
      %dma_start3A_143 = tpu.memref_squeeze %dma_start3A_142 : memref<1x64x128xf32, #tpu.memory_space<hbm>> -> memref<64x128xf32, #tpu.memory_space<hbm>>
      %dma_start3A_144 = arith.constant 0 : i32
      %dma_start3A_145 = tpu.memref_slice %arg4[%add3A_135, %dma_start3A_144, %multiple_of3A_5] : memref<50x64x4096xf32, #tpu.memory_space<hbm>> -> memref<1x64x128xf32, #tpu.memory_space<hbm>>
      %dma_start3A_146 = tpu.memref_squeeze %dma_start3A_145 : memref<1x64x128xf32, #tpu.memory_space<hbm>> -> memref<64x128xf32, #tpu.memory_space<hbm>>
      %dma_start3A_147 = arith.constant 0 : i32
      %dma_start3A_148 = arith.constant 0 : i32
      %dma_start3A_149 = tpu.memref_slice %arg9[%dma_start3A_136, %dma_start3A_147, %dma_start3A_148] : memref<2x64x130xf32, #tpu.memory_space<vmem>> -> memref<1x64x128xf32, #tpu.memory_space<vmem>>
      %dma_start3A_150 = tpu.memref_squeeze %dma_start3A_149 : memref<1x64x128xf32, #tpu.memory_space<vmem>> -> memref<64x128xf32, #tpu.memory_space<vmem>>
      tpu.enqueue_dma source(%dma_start3A_150 : memref<64x128xf32, #tpu.memory_space<vmem>>) target(%dma_start3A_146 : memref<64x128xf32, #tpu.memory_space<hbm>>) target_semaphore(%arg12 : memref<!tpu.dma_semaphore, #tpu.memory_space<semaphore_mem>>)
    }
    %scan3A_26 = arith.constant 25 : i32
    %dma_wait3A_27 = arith.constant 0 : i32
    %dma_wait3A_28 = arith.constant 48 : i32
    %dma_wait3A_29 = arith.constant 0 : i32
    %dma_wait3A_30 = arith.constant 0 : i32
    %dma_wait3A_31 = tpu.memref_slice %arg9[%dma_wait3A_27, %dma_wait3A_29, %dma_wait3A_30] : memref<2x64x130xf32, #tpu.memory_space<vmem>> -> memref<1x64x128xf32, #tpu.memory_space<vmem>>
    %dma_wait3A_32 = tpu.memref_squeeze %dma_wait3A_31 : memref<1x64x128xf32, #tpu.memory_space<vmem>> -> memref<64x128xf32, #tpu.memory_space<vmem>>
    %dma_wait3A_33 = arith.constant 0 : i32
    %dma_wait3A_34 = tpu.memref_slice %arg4[%dma_wait3A_28, %dma_wait3A_33, %multiple_of3A_5] : memref<50x64x4096xf32, #tpu.memory_space<hbm>> -> memref<1x64x128xf32, #tpu.memory_space<hbm>>
    %dma_wait3A_35 = tpu.memref_squeeze %dma_wait3A_34 : memref<1x64x128xf32, #tpu.memory_space<hbm>> -> memref<64x128xf32, #tpu.memory_space<hbm>>
    %dma_wait3A_36 = arith.constant 0 : i32
    %dma_wait3A_37 = tpu.memref_slice %arg4[%dma_wait3A_28, %dma_wait3A_36, %multiple_of3A_5] : memref<50x64x4096xf32, #tpu.memory_space<hbm>> -> memref<1x64x128xf32, #tpu.memory_space<hbm>>
    %dma_wait3A_38 = tpu.memref_squeeze %dma_wait3A_37 : memref<1x64x128xf32, #tpu.memory_space<hbm>> -> memref<64x128xf32, #tpu.memory_space<hbm>>
    %dma_wait3A_39 = arith.constant 0 : i32
    %dma_wait3A_40 = arith.constant 0 : i32
    %dma_wait3A_41 = tpu.memref_slice %arg9[%dma_wait3A_27, %dma_wait3A_39, %dma_wait3A_40] : memref<2x64x130xf32, #tpu.memory_space<vmem>> -> memref<1x64x128xf32, #tpu.memory_space<vmem>>
    %dma_wait3A_42 = tpu.memref_squeeze %dma_wait3A_41 : memref<1x64x128xf32, #tpu.memory_space<vmem>> -> memref<64x128xf32, #tpu.memory_space<vmem>>
    tpu.wait_dma2 semaphore(%arg12 : memref<!tpu.dma_semaphore, #tpu.memory_space<semaphore_mem>>) src(%dma_wait3A_42 : memref<64x128xf32, #tpu.memory_space<vmem>>) dst(%dma_wait3A_38 : memref<64x128xf32, #tpu.memory_space<hbm>>)
    %dma_wait3A_43 = arith.constant 1 : i32
    %dma_wait3A_44 = arith.constant 49 : i32
    %dma_wait3A_45 = arith.constant 0 : i32
    %dma_wait3A_46 = arith.constant 0 : i32
    %dma_wait3A_47 = tpu.memref_slice %arg9[%dma_wait3A_43, %dma_wait3A_45, %dma_wait3A_46] : memref<2x64x130xf32, #tpu.memory_space<vmem>> -> memref<1x64x128xf32, #tpu.memory_space<vmem>>
    %dma_wait3A_48 = tpu.memref_squeeze %dma_wait3A_47 : memref<1x64x128xf32, #tpu.memory_space<vmem>> -> memref<64x128xf32, #tpu.memory_space<vmem>>
    %dma_wait3A_49 = arith.constant 0 : i32
    %dma_wait3A_50 = tpu.memref_slice %arg4[%dma_wait3A_44, %dma_wait3A_49, %multiple_of3A_5] : memref<50x64x4096xf32, #tpu.memory_space<hbm>> -> memref<1x64x128xf32, #tpu.memory_space<hbm>>
    %dma_wait3A_51 = tpu.memref_squeeze %dma_wait3A_50 : memref<1x64x128xf32, #tpu.memory_space<hbm>> -> memref<64x128xf32, #tpu.memory_space<hbm>>
    %dma_wait3A_52 = arith.constant 0 : i32
    %dma_wait3A_53 = tpu.memref_slice %arg4[%dma_wait3A_44, %dma_wait3A_52, %multiple_of3A_5] : memref<50x64x4096xf32, #tpu.memory_space<hbm>> -> memref<1x64x128xf32, #tpu.memory_space<hbm>>
    %dma_wait3A_54 = tpu.memref_squeeze %dma_wait3A_53 : memref<1x64x128xf32, #tpu.memory_space<hbm>> -> memref<64x128xf32, #tpu.memory_space<hbm>>
    %dma_wait3A_55 = arith.constant 0 : i32
    %dma_wait3A_56 = arith.constant 0 : i32
    %dma_wait3A_57 = tpu.memref_slice %arg9[%dma_wait3A_43, %dma_wait3A_55, %dma_wait3A_56] : memref<2x64x130xf32, #tpu.memory_space<vmem>> -> memref<1x64x128xf32, #tpu.memory_space<vmem>>
    %dma_wait3A_58 = tpu.memref_squeeze %dma_wait3A_57 : memref<1x64x128xf32, #tpu.memory_space<vmem>> -> memref<64x128xf32, #tpu.memory_space<vmem>>
    tpu.wait_dma2 semaphore(%arg12 : memref<!tpu.dma_semaphore, #tpu.memory_space<semaphore_mem>>) src(%dma_wait3A_58 : memref<64x128xf32, #tpu.memory_space<vmem>>) dst(%dma_wait3A_54 : memref<64x128xf32, #tpu.memory_space<hbm>>)
    return
  }
}

</mosaic_0001>

<sc_bundles>
// kernel: kernel.3.cloned.1.call-start
scs
__scs_entry_jumppad:
0x0: {  	(pc) =	sbr.rel $0x88, $3  }
0x1: {  	(tag) =	ssettag $0x0;
	lr =	simm.s32 $0x1  }
0x2: {  	[smem:$0x3F9F] =	sst lr;
	_ =	strace $0xD0000000  }
0x3: {  	_ = 	snop  }
0x4: {  	_ = 	snop  }
0x5: {  	_ = 	snop  }
0x6: {  	_ = 	snop  }
0x7: {  	_ = 	snop  }
__scs_overlays_trampoline_lowered:
0x8: {  	[smem:$0x3FAE] =	sst s0  }
0x9: {  	[smem:$0x3FAF] =	sst s1  }
0xa: {  	[smem:$0x3FB0] =	sst s2  }
0xb: {  	[smem:$0x3FB1] =	sst s3  }
0xc: {  	[smem:$0x3FB2] =	sst s4  }
0xd: {  	[smem:$0x3FB3] =	sst s5  }
0xe: {  	[smem:$0x3FB4] =	sst s6  }
0xf: {  	[smem:$0x3FB5] =	sst s7  }
0x10: {  	[smem:$0x3FB6] =	sst s8  }
0x11: {  	[smem:$0x3FB7] =	sst s9;
	s0 =	simm.s32 @!p0 $0x0  }
0x12: {  	s1 =	sld [smem:$0x3F9D];
	s0 =	simm.s32 @p0 $0x1  }
0x13: {  	[smem:$0x3FB8] =	sst s0;
	s0 =	simm.s32 @!p1 $0x0  }
0x14: {  	s2 =	sld [smem:$0x3F9C];
	s0 =	simm.s32 @p1 $0x1  }
0x15: {  	[smem:$0x3FB9] =	sst s0;
	s0 =	simm.s32 @!p2 $0x0  }
0x16: {  	s3 =	sld [smem:$0x3FDB];
	s0 =	simm.s32 @p2 $0x1  }
0x17: {  	s4 =	simm.s32 $0x1BF5;
	[smem:$0x3FBB] =	sst s0  }
0x18: {  	s0 =	sld [smem:$0x3F9E];
	_ =	swait.ge [sflag:s4], $0x0  }
0x19: {  	s7 =	sld [smem:$0x3F9F]  }
0x1a: {  	s8 =	sadd.s32 $0xFFFFE003, lr  }
0x1b: {  	s9 =	sadd.s32 $0xFFFFFEF7, lr;
	s5 =	simm.s32 $0xFFFFFFFF;
	p2 =	slt.u32 s8, $0xFFFFF086  }
0x1c: {  	p1 =	slt.u32 s9, $0xF7A;
	s5 =	simm.s32 @!p2 $0x0  }
0x1d: {  	s5 =	simm.s32 @p1 $0x1;
	p0 =	seq.s32 s7, s2  }
0x1e: {  	s7 =	smul.u32 @!p0 $0xF7A, s2;
	p2 =	seq.s32 @!p0 s5, $0x0  }
0x1f: {  	s9 =	smul.u32 $0xF7A, s1;
	s8 =	simm.s32 @!p0 $0x1BF5;
	p2 =	por !p2, p0  }
0x20: {  	[sflag:s8] =	ssyncset.s32 @!p0 $0xFFFFF086;
	s6 =	sadd.s32 @!p0 s3, s7;
	s7 =	simm.s32 @!p0 $0x108  }
0x21: {  	s3 =	sadd.s32 s3, s9;
	s6 =	sadd.s32 @!p0 $0x88, s6;
	s7 =	simm.s32 @p2 $0x1082  }
0x22: {  	[simem:s7], [sflag:s8] =	dma.local @!p0 [hbm:s6], $0xF7A  }
0x23: {  	s9 =	sor.u32 $0xD0000000, s2;
	s6 =	simm.s32 $0x108;
	_ =	swait.ge @!p0 [sflag:s8], $0x0  }
0x24: {  	s3 =	sadd.s32 $0x88, s3;
	s6 =	simm.s32 @!p1 $0x1082;
	[sflag:s4] =	ssyncset.s32 $0xFFFFF086  }
0x25: {  	[simem:s6], [sflag:s4] =	dma.local [hbm:s3], $0xF7A  }
0x26: {  	[smem:$0x3F9F] =	sst s1;
	(tag) =	ssettag s2;
	_ =	strace s9  }
0x27: {  	s1 =	sld [smem:$0x3FAF]  }
0x28: {  	s2 =	sld [smem:$0x3FB0]  }
0x29: {  	s4 =	sld [smem:$0x3FB2]  }
0x2a: {  	p0 =	seq.s32 s5, $0x0;
	s5 =	sld [smem:$0x3FB3]  }
0x2b: {  	s6 =	sld [smem:$0x3FB4]  }
0x2c: {  	s7 =	sld [smem:$0x3FB5]  }
0x2d: {  	s3 =	simm.s32 $0x108;
	s8 =	sld [smem:$0x3FB6]  }
0x2e: {  	s3 =	simm.s32 @!p0 $0x1082;
	s9 =	sld [smem:$0x3FB7]  }
0x2f: {  	lr =	sadd.s32 s0, s3;
	s0 =	sld [smem:$0x3FAE]  }
0x30: {  	s3 =	sld [smem:$0x3FB1]  }
0x31: {  	[smem:$0x3FBA] =	sst s10  }
0x32: {  	s10 =	sld [smem:$0x3FB8];
	_ =	sdelay $0x3  }
0x33: {  	p0 =	seq.s32 s10, $0x1;
	s10 =	sld [smem:$0x3FBA];
	_ =	sdelay $0x3  }
0x34: {  	[smem:$0x3FBA] =	sst s10  }
0x35: {  	s10 =	sld [smem:$0x3FB9];
	_ =	sdelay $0x3  }
0x36: {  	p1 =	seq.s32 s10, $0x1;
	s10 =	sld [smem:$0x3FBA];
	_ =	sdelay $0x3  }
0x37: {  	[smem:$0x3FBA] =	sst s10  }
0x38: {  	s10 =	sld [smem:$0x3FBB]  }
0x39: {  	_ = 	snop;
	(pc) =	sbr.ind lr, $3  }
0x3a: {  	_ = 	snop  }
0x3b: {  	_ = 	snop  }
0x3c: {  	p2 =	seq.s32 s10, $0x1;
	s10 =	sld [smem:$0x3FBA]  }
0x3d: {  	_ =	shalt  }
0x3e: {  	_ =	shalt  }
0x3f: {  	_ =	shalt  }
0x40: {  	_ =	shalt  }
0x41: {  	_ =	shalt  }
0x42: {  	_ =	shalt  }
0x43: {  	_ =	shalt  }
0x44: {  	_ =	shalt  }
0x45: {  	_ =	shalt  }
0x46: {  	_ =	shalt  }
0x47: {  	_ =	shalt  }
0x48: {  	_ =	shalt  }
0x49: {  	_ =	shalt  }
0x4a: {  	_ =	shalt  }
0x4b: {  	_ =	shalt  }
0x4c: {  	_ =	shalt  }
0x4d: {  	_ =	shalt  }
0x4e: {  	_ =	shalt  }
0x4f: {  	_ =	shalt  }
0x50: {  	_ =	shalt  }
0x51: {  	_ =	shalt  }
0x52: {  	_ =	shalt  }
0x53: {  	_ =	shalt  }
0x54: {  	_ =	shalt  }
0x55: {  	_ =	shalt  }
0x56: {  	_ =	shalt  }
0x57: {  	_ =	shalt  }
0x58: {  	_ =	shalt  }
0x59: {  	_ =	shalt  }
0x5a: {  	_ =	shalt  }
0x5b: {  	_ =	shalt  }
0x5c: {  	_ =	shalt  }
0x5d: {  	_ =	shalt  }
0x5e: {  	_ =	shalt  }
0x5f: {  	_ =	shalt  }
0x60: {  	_ =	shalt  }
0x61: {  	_ =	shalt  }
0x62: {  	_ =	shalt  }
0x63: {  	_ =	shalt  }
0x64: {  	_ =	shalt  }
0x65: {  	_ =	shalt  }
0x66: {  	_ =	shalt  }
0x67: {  	_ =	shalt  }
0x68: {  	_ =	shalt  }
0x69: {  	_ =	shalt  }
0x6a: {  	_ =	shalt  }
0x6b: {  	_ =	shalt  }
0x6c: {  	_ =	shalt  }
0x6d: {  	_ =	shalt  }
0x6e: {  	_ =	shalt  }
0x6f: {  	_ =	shalt  }
0x70: {  	_ =	shalt  }
0x71: {  	_ =	shalt  }
0x72: {  	_ =	shalt  }
0x73: {  	_ =	shalt  }
0x74: {  	_ =	shalt  }
0x75: {  	_ =	shalt  }
0x76: {  	_ =	shalt  }
0x77: {  	_ =	shalt  }
0x78: {  	_ =	shalt  }
0x79: {  	_ =	shalt  }
0x7a: {  	_ =	shalt  }
0x7b: {  	_ =	shalt  }
0x7c: {  	_ =	shalt  }
0x7d: {  	_ =	shalt  }
0x7e: {  	_ =	shalt  }
0x7f: {  	_ =	shalt  }
0x80: {  	_ =	shalt  }
0x81: {  	_ =	shalt  }
0x82: {  	_ =	shalt  }
0x83: {  	_ =	shalt  }
0x84: {  	_ =	shalt  }
0x85: {  	_ =	shalt  }
0x86: {  	_ =	shalt  }
0x87: {  	_ =	shalt  }
.Lfunc_end0:
.L_simem_size_0:
called_computation_lowered:
.L_overlay_start_0:
0x88: {  	s2 =	sld [smem:$0x3FD9]  }
0x89: {  	s3 =	sld [smem:$0x3FFE];
	_ =	sdelay $0x1  }
0x8a: {  	s1 =	srdreg.scid  }
0x8b: {  	s0 =	sand.u32 $0x1, s1  }
0x8c: {  	s17 =	sshll.u32 s0, $0xA;
	s2 =	sadd.s32 s3, s2  }
0x8d: {  	s2 =	sadd.s32 s2, s17  }
0x8e: {  	[smem:$0x3FC6] =	sst s2  }
0x8f: {  	_ = 	snop  }
0x90: {  	s2 =	sld [smem:$0x3FD0];
	(tm) =	ssettm $0x1  }
0x91: {  	s18 =	sld [smem:$0x3FFB];
	_ =	sdelay $0x3  }
0x92: {  	_ =	strace s18  }
0x93: {  	s3 =	sld [smem:$0x3FFC];
	_ =	sdelay $0x3  }
0x94: {  	_ =	strace s3  }
0x95: {  	s3 =	sld [smem:$0x3FFD];
	_ =	sdelay $0x3  }
0x96: {  	_ =	strace s3  }
0x97: {  	_ =	strace $0x8FFFFFFF  }
0x98: {  	s19 =	sld [smem:$0x3FDB];
	_ =	sdelay $0x1  }
0x99: {  	s4 =	simm.s32 $_scs_section_size  }
0x9a: {  	s5 =	simm.s32 $_size__tile_overlayer_lowered;
	s6 =	simm.s32 $_tile_overlayer_lowered  }
0x9b: {  	s22 =	simm.s32 $0x1BFF;
	s21 =	sshll.u32 s6, $0x1;
	s3 =	sadd.s32 s4, s19  }
0x9c: {  	s7 =	simm.s32 $0x0;
	s20 =	sshll.u32 s5, $0x1;
	s5 =	sadd.s32 s21, s3  }
0x9d: {  	[timem:s7], [sflag:s22] =	dma.local [hbm:s5], s20  }
0x9e: {  	_ =	swait.ge [sflag:s22], s20  }
0x9f: {  	s4 =	ssub.s32 $0x0, s20;
	[sflag:s22] =	ssyncset.done $0x0  }
0xa0: {  	[sflag:s22] =	ssyncadd.s32 s4;
	_ =	sdelay $0x1  }
0xa1: {  	s23 =	simm.s32 $0x1B8B  }
0xa2: {  	_ =	swait.ge [sflag:s23], $0x1  }
0xa3: {  	[sflag:s23] =	ssyncset.done $0x0  }
0xa4: {  	s25 =	simm.s32 $0x1B8E;
	s24 =	sld [smem:$0x3FFE];
	[sflag:s23] =	ssyncadd.s32 $0xFFFFFFFF  }
0xa5: {  	s26 =	simm.s32 $execute0_lowered;
	[smem:$0x3FD2] =	sst s25  }
0xa6: {  	s5 =	sshll.u32 s26, $0x1;
	_ =	strace $0x80000046;
	[dreg:$0x1] =	wrdreg $0xFFFFFFFF  }
0xa7: {  	s28 =	simm.s32 $_size_execute0_lowered;
	s3 =	sadd.s32 s3, s5;
	[dreg:$0x0] =	wrdreg $0x0  }
0xa8: {  	s5 =	sshll.u32 s28, $0x1;
	[dreg:$0x2] =	wrdreg s3  }
0xa9: {  	[dreg:$0x3] =	wrdreg s5  }
0xaa: {  	[dreg:$0x4] =	wrdreg $0xC0  }
0xab: {  	_ =	task [dreg:s7], $0x5FFFF  }
0xac: {  	[dreg:$0x1] =	wrdreg $0xFFFFFFFF  }
0xad: {  	[dreg:$0x0] =	wrdreg $0x60  }
0xae: {  	[dreg:$0x2] =	wrdreg s24  }
0xaf: {  	[dreg:$0x3] =	wrdreg s2  }
0xb0: {  	[dreg:$0x4] =	wrdreg $0x9  }
0xb1: {  	_ =	task.clear_ibuf [dreg:s7], $0x5FFFF;
	_ =	strace $0x90000046  }
0xb2: {  	s29 =	simm.s32 $0x9;
	_ =	strace $0x80000048  }
0xb3: {  	_ =	swait.ge [sflag:s29], $0x1  }
0xb4: {  	[sflag:s29] =	ssyncadd.s32 $0xFFFFFFFF  }
0xb5: {  	_ =	strace $0x90000048  }
0xb6: {  	_ =	sfence  }
0xb7: {  	s30 =	sld [smem:$0x0];
	_ =	sdelay $0x2  }
0xb8: {  	s31 =	sshll.u32 s1, $0xD;
	s1 =	sshrl.u32 s1, $0x2  }
0xb9: {  	s3 =	sand.u32 $0x4000, s31;
	s1 =	sadd.s32 s1, s30  }
0xba: {  	s0 =	sor.u32 s3, s0;
	s1 =	sshll.u32 s1, $0x11  }
0xbb: {  	s0 =	sor.u32 s1, s0  }
0xbc: {  	s0 =	sadd.s32 $0x8F2B, s0  }
0xbd: {  	[sflag:s0] =	ssyncadd.remote.s32 $0x1  }
0xbe: {  	_ =	sfence.sel $0xFFFF  }
0xbf: {  	[dreg:$0x0] =	wrdreg $0xFFFFFFFF;
	(pc) =	sbr.abs _section_cstart, $3  }
0xc0: {  	[dreg:$0x1] =	wrdreg $0xFFFFFFFF  }
0xc1: {  	_ =	task.clear_ibuf [dreg:s7], $0x2FFFF;
	_ =	strace $0x9FFFFFFF  }
0xc2: {  	(tm) =	ssettm $0x7FFFFFFF  }
0xc3: {  	_ =	shalt  }
tec
execute0_lowered:
.L_overlay_start_1:
0x0: {  	(tag) =	ssettag $0x1  }
0x1: {  	s0 =	srdreg.scid  }
0x2: {  	s2 =	stileid.u32;
	s1 =	rddreg [dreg:$0x0]  }
0x3: {  	s9 =	simm.s32 $0x80;
	s11 =	simm.s32 $0x1A00;
	s13 =	simm.s32 $0x5A00  }
0x4: {  	s14 =	simm.s32 $0x2;
	s15 =	simm.s32 $0x9A00;
	s17 =	simm.s32 $0xAA00  }
0x5: {  	s18 =	simm.s32 $0xB200;
	s19 =	simm.s32 $0xBA00;
	s20 =	simm.s32 $0xC200  }
0x6: {  	s21 =	simm.s32 $0xCA00;
	s22 =	simm.s32 $0xD200;
	s23 =	simm.s32 $0x3  }
0x7: {  	s24 =	simm.s32 $0xDA00;
	s25 =	simm.s32 $0xE200;
	s28 =	simm.s32 $0xF200  }
0x8: {  	s29 =	simm.s32 $0xFA00;
	s0 =	sand.u32 $0x1, s0;
	s3 =	sshll.u32 s2, $0x1  }
0x9: {  	s30 =	simm.s32 $0x10200;
	s2 =	rddreg [dreg:$0x1];
	s5 =	sor.u32 s0, s3  }
0xa: {  	v0 =	vlaneseq.u32;
	s3 =	simm.s32 $0x0;
	s0 =	ssub.s32 $0x2, s0;
	s4 =	smul.u32 $0x320, s5  }
0xb: {  	s31 =	simm.s32 $0x10A00;
	v1 =	vmul.u32 $0x32, v0;
	[smem:$0x7FF] =	sst s3;
	s7 =	sshrl.u32 s0, $0x1  }
0xc: {  	v9 =	vor.u32 $0x1000, v0;
	_ =	strace $0x80000047;
	s0 =	ssub.s32 s0, s7;
	s6 =	sadd.s32 s4, s1  }
0xd: {  	v10 =	vor.u32 $0x2000, v0;
	v11 =	vor.u32 $0x3000, v0;
	v2 =	vadd.s32 $0x320, v1;
	s4 =	sadd.s32 $0xF48E00, s1;
	s0 =	smax.u32 s0, $0x1;
	s1 =	simm.s32 $0x11200  }
0xe: {  	v3 =	vadd.s32 $0x640, v1;
	v4 =	vadd.s32 $0x960, v1;
	v5 =	vadd.s32 $0xC80, v1;
	s26 =	sadd.s32 $0xF42A00, s6;
	s6 =	sshll.u32 s5, $0xA;
	[dreg:$0x4] =	wrdreg s0  }
0xf: {  	v6 =	vadd.s32 $0xFA0, v1;
	v7 =	vadd.s32 $0x12C0, v1;
	v8 =	vadd.s32 $0x15E0, v1;
	s5 =	simm.s32 $0x0;
	[dreg:$0x3] =	wrdreg s26;
	s26 =	simm.s32 $0xEA00  }
.LBB2_1:
0x10: {  	[dreg:$0x5] =	wrdreg s5  }
0x11: {  	s0 =	rddreg [dreg:$0x3];
	s12 =	simm.s32 $0x1  }
0x12: {  	[tilespmem:s3], [sflag:$0x1] =	stream.linear.gather [hbm4b:s0+s3], $0x1900, $0x38;
	[tilespmem:$0x11A00] =	vst v63  }
0x13: {  	_ =	swait.ge [sflag:s12], $0x1900  }
0x14: {  	[sflag:s12] =	ssyncset.done $0x0  }
0x15: {  	[sflag:s12] =	ssyncadd.s32 $0xFFFFE700  }
0x16: {  	v12 =	vld.idx.msk [tilespmem:v1+s3+$0x0], $0xffff;
	_ =	sdelay $0x4  }
0x17: {  	[tilespmem:$0x1900] =	vst v12  }
0x18: {  	v12 =	vld.idx.msk [tilespmem:v2+s3+$0x0], $0xffff;
	_ =	sdelay $0x4  }
0x19: {  	[tilespmem:$0x1910] =	vst v12  }
0x1a: {  	v12 =	vld.idx.msk [tilespmem:v3+s3+$0x0], $0xffff;
	_ =	sdelay $0x4  }
0x1b: {  	[tilespmem:$0x1920] =	vst v12  }
0x1c: {  	v12 =	vld.idx.msk [tilespmem:v4+s3+$0x0], $0xffff;
	_ =	sdelay $0x4  }
0x1d: {  	[tilespmem:$0x1930] =	vst v12  }
0x1e: {  	v12 =	vld.idx.msk [tilespmem:v5+s3+$0x0], $0xffff;
	_ =	sdelay $0x4  }
0x1f: {  	[tilespmem:$0x1940] =	vst v12  }
0x20: {  	v12 =	vld.idx.msk [tilespmem:v6+s3+$0x0], $0xffff;
	_ =	sdelay $0x4  }
0x21: {  	[tilespmem:$0x1950] =	vst v12  }
0x22: {  	v12 =	vld.idx.msk [tilespmem:v7+s3+$0x0], $0xffff;
	_ =	sdelay $0x4  }
0x23: {  	[tilespmem:$0x1960] =	vst v12  }
0x24: {  	v12 =	vld.idx.msk [tilespmem:v8+s3+$0x0], $0xffff;
	_ =	sdelay $0x4  }
0x25: {  	s16 =	simm.s32 $0x1900;
	s5 =	simm.s32 $0x0;
	[tilespmem:$0x1970] =	vst v12  }
0x26: {  	[tilespmem:s11], [sflag:$0x2] =	stream.indirect.gather [hbm4b:s4+s9], $0x80, s16, s9, $0xb8;
	[tilespmem:$0x11A00] =	vst v63  }
.LBB2_2:
0x27: {  	s0 =	simm.s32 $0x0  }
0x28: {  	v12 =	vmov s0  }
0x29: {  	s7 =	sshllo.u32 s5, $0x1;
	v13 =	vmul.u32 $0x32, v12  }
0x2a: {  	v12 =	vmov s7  }
0x2b: {  	v13 =	vadd.s32 v12, v13  }
0x2c: {  	v13 =	vbroadcast v13, $0x0  }
0x2d: {  	s12 =	simm.s32 $0x10  }
0x2e: {  	v14 =	vmov s12;
	v13 =	vadd.s32 v1, v13  }
0x2f: {  	v14 =	vmul.u32 $0x32, v14;
	_ =	sdelay $0x1  }
0x30: {  	v14 =	vadd.s32 v12, v14  }
0x31: {  	v14 =	vbroadcast v14, $0x0  }
0x32: {  	s16 =	simm.s32 $0x20;
	v13 =	vld.idx.msk [tilespmem:v13+s3+$0x0], $0xffff  }
0x33: {  	v15 =	vmov s16;
	v14 =	vadd.s32 v1, v14  }
0x34: {  	v15 =	vmul.u32 $0x32, v15;
	_ =	sdelay $0x1  }
0x35: {  	s0 =	simm.s32 $0x1980;
	v15 =	vadd.s32 v12, v15  }
0x36: {  	v15 =	vbroadcast v15, $0x0;
	[tilespmem:s0+$0x0] =	vst v13  }
0x37: {  	v14 =	vld.idx.msk [tilespmem:v14+s3+$0x0], $0xffff  }
0x38: {  	s10 =	simm.s32 $0x30;
	v13 =	vadd.s32 v1, v15  }
0x39: {  	s8 =	sshll.u32 s5, $0x1;
	v15 =	vmov s10;
	s10 =	simm.s32 $0x40  }
.LBB2_3:
0x3a: {  	p0 =	sne.s32 s10, $0x70;
	v15 =	vmul.u32 $0x32, v15  }
0x3b: {  	s0 =	sadd.s32 $0x10, s0  }
.Ltmp0:
0x3c: {  	v15 =	vadd.s32 v12, v15;
	[tilespmem:s0+$0x0] =	vst v14;
	(pc) =	sbr.rel @p0 .LBB2_3-.Ltmp0, $3  }
0x3d: {  	v15 =	vbroadcast v15, $0x0;
	v14 =	vld.idx.msk [tilespmem:v13+s3+$0x0], $0xffff;
	_ =	sdelay $0x1  }
0x3e: {  	v13 =	vadd.s32 v1, v15  }
0x3f: {  	v15 =	vmov s10;
	s10 =	sadd.s32 $0x10, s10  }
0x40: {  	v15 =	vmul.u32 $0x32, v15;
	_ =	sdelay $0x1  }
0x41: {  	s0 =	sadd.s32 $0x10, s0;
	v12 =	vadd.s32 v12, v15  }
0x42: {  	[tilespmem:s0+$0x0] =	vst v14;
	v12 =	vbroadcast v12, $0x0  }
0x43: {  	v13 =	vld.idx.msk [tilespmem:v13+s3+$0x0], $0xffff  }
0x44: {  	v12 =	vadd.s32 v1, v12;
	_ =	sdelay $0x2  }
0x45: {  	s0 =	sadd.s32 $0x10, s0  }
0x46: {  	[tilespmem:s0+$0x0] =	vst v13  }
0x47: {  	v12 =	vld.idx.msk [tilespmem:v12+s3+$0x0], $0xffff;
	_ =	sdelay $0x3  }
0x48: {  	s0 =	sadd.s32 $0x10, s0  }
0x49: {  	s16 =	simm.s32 $0x1980;
	[tilespmem:s0+$0x0] =	vst v12  }
0x4a: {  	[tilespmem:s13], [sflag:$0x2] =	stream.indirect.gather [hbm4b:s4+s9], $0x80, s16, s9, $0xb8;
	[tilespmem:$0x11A00] =	vst v63  }
0x4b: {  	_ =	swait.ge [sflag:s14], $0x4000  }
0x4c: {  	p0 =	seq.s32 s5, $0x0;
	[sflag:s14] =	ssyncset.done $0x0  }
0x4d: {  	s0 =	simm.s32 @!p0 $0x3;
	[sflag:s14] =	ssyncadd.s32 $0xFFFFC000  }
0x4e: {  	_ =	swait.ge @!p0 [sflag:s0], $0x2000  }
0x4f: {  	[sflag:s0] =	ssyncset.done @!p0 $0x0  }
0x50: {  	s10 =	simm.s32 $0x0;
	[sflag:s0] =	ssyncadd.s32 @!p0 $0xFFFFE000;
	s0 =	simm.s32 $0x0  }
.LBB2_5:
0x51: {  	s12 =	sshll.u32 s10, $0x4  }
0x52: {  	v33 =	vadd.s32 s0, v0;
	s16 =	simm.s32 $0x1;
	v23 =	vor.u32 s12, v0  }
0x53: {  	v17 =	vand.u32 $0xF, v33;
	v35 =	vadd.s32 s16, v0;
	v28 =	vshll.u32 v23, $0x7  }
0x54: {  	v25 =	vand.u32 $0xF, v35;
	v12 =	vor.u32 v28, v17  }
0x55: {  	v15 =	vor.u32 v28, v25;
	_ =	sdelay $0x1  }
0x56: {  	v13 =	vshll.u32 v33, $0x8  }
0x57: {  	v14 =	vshll.u32 v33, $0x7;
	v13 =	vand.u32 $0x800, v13  }
0x58: {  	v14 =	vand.u32 $0x380, v14;
	v18 =	vshll.u32 v35, $0x8;
	v16 =	vor.u32 v13, v23;
	v12 =	vld.idx.msk [tilespmem:v12+s11+$0x0], $0xffff  }
0x59: {  	v20 =	vor.u32 v14, v16;
	v16 =	vand.u32 $0x800, v18;
	v19 =	vld.idx.msk [tilespmem:v15+s11+$0x0], $0xffff;
	v15 =	vshll.u32 v35, $0x7  }
0x5a: {  	v26 =	vor.u32 $0x10, v28;
	v18 =	vor.u32 v16, v23;
	v21 =	vand.u32 $0x380, v15  }
0x5b: {  	v30 =	vor.u32 v26, v33;
	v32 =	vor.u32 v21, v18  }
0x5c: {  	s16 =	simm.s32 $0x2;
	v34 =	vor.u32 v26, v35  }
0x5d: {  	v24 =	vadd.s32 s16, v0;
	v12 =	vmul.f32 $8.000000000e+00, v12  }
0x5e: {  	v27 =	vor.u32 s12, v9;
	s16 =	simm.s32 $0x3;
	v31 =	vand.u32 $0xF, v24;
	v19 =	vmul.f32 $8.000000000e+00, v19  }
0x5f: {  	v22 =	vor.u32 $0x20, v28;
	v36 =	vor.u32 v28, v31;
	v18 =	vadd.s32 s16, v0;
	[tilespmem:v20+s15+$0x0] =	vst.idx.msk $0xffff, v12  }
0x60: {  	v38 =	vshll.u32 v24, $0x7;
	v39 =	vor.u32 v22, v17;
	v29 =	vand.u32 $0xF, v18;
	[tilespmem:v32+s15+$0x0] =	vst.idx.msk $0xffff, v19;
	v30 =	vld.idx.msk [tilespmem:v30+s11+$0x0], $0xffff  }
0x61: {  	v17 =	vor.u32 v27, v13;
	v44 =	vor.u32 v22, v25;
	v37 =	vor.u32 v28, v29;
	v32 =	vld.idx.msk [tilespmem:v34+s11+$0x0], $0xffff  }
0x62: {  	v59 =	vor.u32 v14, v17;
	v40 =	vor.u32 v27, v16;
	v17 =	vand.u32 $0x380, v38  }
0x63: {  	v15 =	vor.u32 $0x30, v28;
	v43 =	vor.u32 v21, v40;
	v40 =	vor.u32 v26, v24  }
0x64: {  	v36 =	vld.idx.msk [tilespmem:v36+s11+$0x0], $0xffff;
	v35 =	vor.u32 v15, v35;
	v25 =	vshll.u32 v18, $0x8;
	v19 =	vshll.u32 v24, $0x8  }
0x65: {  	v25 =	vand.u32 $0x800, v25;
	v19 =	vand.u32 $0x800, v19;
	v41 =	vmul.f32 $8.000000000e+00, v30  }
0x66: {  	v60 =	vor.u32 v19, v23;
	v45 =	vld.idx.msk [tilespmem:v37+s11+$0x0], $0xffff;
	v30 =	vshll.u32 v18, $0x7;
	v47 =	vmul.f32 $8.000000000e+00, v32  }
0x67: {  	v61 =	vor.u32 v25, v23;
	v46 =	vor.u32 v17, v60;
	v30 =	vand.u32 $0x380, v30;
	[tilespmem:v59+s15+$0x0] =	vst.idx.msk $0xffff, v41  }
0x68: {  	v20 =	vor.u32 s12, v10;
	v42 =	vor.u32 v30, v61;
	[tilespmem:v43+s15+$0x0] =	vst.idx.msk $0xffff, v47;
	v38 =	vld.idx.msk [tilespmem:v39+s11+$0x0], $0xffff  }
0x69: {  	v48 =	vmul.f32 $8.000000000e+00, v36;
	v62 =	vor.u32 v20, v13;
	v41 =	vor.u32 v26, v18;
	v36 =	vld.idx.msk [tilespmem:v44+s11+$0x0], $0xffff  }
0x6a: {  	s16 =	simm.s32 $0x4;
	v63 =	vor.u32 v20, v16;
	v34 =	vor.u32 v15, v33;
	v37 =	vor.u32 v14, v62  }
0x6b: {  	v33 =	vor.u32 v21, v63;
	v32 =	vadd.s32 s16, v0;
	v43 =	vmul.f32 $8.000000000e+00, v45  }
0x6c: {  	v12 =	vor.u32 s12, v11;
	s12 =	simm.s32 $0x6;
	s16 =	simm.s32 $0x5;
	[tilespmem:v46+s15+$0x0] =	vst.idx.msk $0xffff, v48;
	v39 =	vand.u32 $0xF, v32;
	v44 =	vshll.u32 v32, $0x7  }
.LBB2_6:
0x6d: {  	p1 =	slt.u32 s12, $0xE;
	v45 =	vadd.s32 s16, v0;
	v40 =	vld.idx.msk [tilespmem:v40+s11+$0x0], $0xffff;
	v46 =	vor.u32 v22, v31;
	[tilespmem:v42+s15+$0x0] =	vst.idx.msk $0xffff, v43;
	v31 =	vmul.f32 $8.000000000e+00, v38  }
0x6e: {  	v38 =	vor.u32 v28, v39;
	v36 =	vmul.f32 $8.000000000e+00, v36;
	v47 =	vmovc v30;
	v48 =	vmovc v24;
	v42 =	vand.u32 $0xF, v45;
	v41 =	vld.idx.msk [tilespmem:v41+s11+$0x0], $0xffff  }
0x6f: {  	v49 =	vshll.u32 v32, $0x8;
	v43 =	vor.u32 v27, v19;
	v30 =	vor.u32 v28, v42;
	[tilespmem:v37+s15+$0x0] =	vst.idx.msk $0xffff, v31  }
0x70: {  	v50 =	vor.u32 v27, v25;
	v37 =	vor.u32 v17, v43;
	v34 =	vld.idx.msk [tilespmem:v34+s11+$0x0], $0xffff;
	[tilespmem:v33+s15+$0x0] =	vst.idx.msk $0xffff, v36  }
0x71: {  	v24 =	vmovc v32;
	v43 =	vor.u32 v47, v50;
	v33 =	vand.u32 $0x800, v49;
	v36 =	vand.u32 $0x380, v44;
	v35 =	vld.idx.msk [tilespmem:v35+s11+$0x0], $0xffff;
	v31 =	vmovc v39  }
0x72: {  	v50 =	vor.u32 v12, v13;
	v32 =	vor.u32 v33, v23;
	v39 =	vor.u32 v22, v29;
	v29 =	vmovc v42  }
0x73: {  	v13 =	vmovc v19;
	v49 =	vor.u32 v14, v50;
	v42 =	vor.u32 v12, v16;
	v44 =	vld.idx.msk [tilespmem:v38+s11+$0x0], $0xffff;
	v38 =	vmul.f32 $8.000000000e+00, v40  }
0x74: {  	v14 =	vmovc v17;
	v16 =	vshll.u32 v45, $0x8;
	v19 =	vmovc v33;
	v21 =	vor.u32 v21, v42;
	v40 =	vmul.f32 $8.000000000e+00, v41;
	v50 =	vld.idx.msk [tilespmem:v30+s11+$0x0], $0xffff  }
0x75: {  	v17 =	vmovc v36;
	v51 =	vor.u32 v36, v32;
	v52 =	vand.u32 $0x800, v16;
	v30 =	vshll.u32 v45, $0x7;
	[tilespmem:v37+s15+$0x0] =	vst.idx.msk $0xffff, v38  }
0x76: {  	v32 =	vor.u32 v52, v23;
	v30 =	vand.u32 $0x380, v30;
	v33 =	vmul.f32 $8.000000000e+00, v34;
	v38 =	vld.idx.msk [tilespmem:v46+s11+$0x0], $0xffff;
	[tilespmem:v43+s15+$0x0] =	vst.idx.msk $0xffff, v40  }
.Ltmp1:
0x77: {  	v16 =	vmovc v25;
	v40 =	vor.u32 v26, v24;
	v42 =	vor.u32 v30, v32;
	v34 =	vmul.f32 $8.000000000e+00, v35;
	v36 =	vld.idx.msk [tilespmem:v39+s11+$0x0], $0xffff;
	(pc) =	sbr.rel @p1 .LBB2_6-.Ltmp1, $4  }
0x78: {  	v41 =	vor.u32 v26, v45;
	v32 =	vadd.s32 s12, v0;
	v46 =	vor.u32 v20, v13;
	[tilespmem:v49+s15+$0x0] =	vst.idx.msk $0xffff, v33  }
0x79: {  	v37 =	vor.u32 v14, v46;
	v39 =	vor.u32 v20, v16;
	v35 =	vmul.f32 $8.000000000e+00, v44;
	[tilespmem:v21+s15+$0x0] =	vst.idx.msk $0xffff, v34  }
0x7a: {  	v25 =	vmovc v52;
	v33 =	vor.u32 v47, v39;
	v43 =	vmul.f32 $8.000000000e+00, v50;
	v34 =	vor.u32 v15, v48;
	v21 =	vmovc v47  }
0x7b: {  	s16 =	sadd.s32 $0x1, s12;
	s12 =	sadd.s32 $0x2, s12;
	v39 =	vand.u32 $0xF, v32;
	v44 =	vshll.u32 v32, $0x7;
	[tilespmem:v51+s15+$0x0] =	vst.idx.msk $0xffff, v35;
	v35 =	vor.u32 v15, v18;
	v18 =	vmovc v45  }
0x7c: {  	v45 =	vadd.s32 s16, v0  }
0x7d: {  	v46 =	vor.u32 v28, v39;
	v47 =	vand.u32 $0xF, v45  }
0x7e: {  	v61 =	vor.u32 v28, v47;
	_ =	sdelay $0x2  }
0x7f: {  	v48 =	vshll.u32 v32, $0x8  }
0x80: {  	v44 =	vand.u32 $0x380, v44;
	v48 =	vand.u32 $0x800, v48;
	v49 =	vshll.u32 v45, $0x8;
	v46 =	vld.idx.msk [tilespmem:v46+s11+$0x0], $0xffff  }
0x81: {  	v51 =	vshll.u32 v45, $0x7;
	v50 =	vor.u32 v48, v23;
	v49 =	vand.u32 $0x800, v49;
	v28 =	vld.idx.msk [tilespmem:v61+s11+$0x0], $0xffff  }
0x82: {  	v51 =	vand.u32 $0x380, v51;
	v50 =	vor.u32 v44, v50;
	v62 =	vor.u32 v49, v23  }
0x83: {  	v52 =	vor.u32 v26, v32;
	v23 =	vor.u32 v51, v62  }
0x84: {  	v63 =	vor.u32 v26, v45  }
0x85: {  	v46 =	vmul.f32 $8.000000000e+00, v46  }
0x86: {  	[tilespmem:v42+s15+$0x0] =	vst.idx.msk $0xffff, v43;
	v40 =	vld.idx.msk [tilespmem:v40+s11+$0x0], $0xffff;
	v28 =	vmul.f32 $8.000000000e+00, v28  }
0x87: {  	v31 =	vor.u32 v22, v31;
	v41 =	vld.idx.msk [tilespmem:v41+s11+$0x0], $0xffff;
	[tilespmem:v50+s15+$0x0] =	vst.idx.msk $0xffff, v46;
	v46 =	vor.u32 v27, v19  }
0x88: {  	v50 =	vor.u32 v27, v25;
	v42 =	vor.u32 v17, v46;
	v52 =	vld.idx.msk [tilespmem:v52+s11+$0x0], $0xffff;
	[tilespmem:v23+s15+$0x0] =	vst.idx.msk $0xffff, v28  }
0x89: {  	v38 =	vmul.f32 $8.000000000e+00, v38;
	v53 =	vor.u32 v27, v48;
	v23 =	vor.u32 v30, v50;
	v26 =	vld.idx.msk [tilespmem:v63+s11+$0x0], $0xffff  }
0x8a: {  	v29 =	vor.u32 v22, v29;
	v43 =	vor.u32 v44, v53;
	v54 =	vor.u32 v27, v49  }
0x8b: {  	v55 =	vor.u32 v22, v39;
	v40 =	vmul.f32 $8.000000000e+00, v40;
	v27 =	vor.u32 v51, v54  }
0x8c: {  	[tilespmem:v37+s15+$0x0] =	vst.idx.msk $0xffff, v38;
	v57 =	vor.u32 v22, v47;
	v56 =	vmul.f32 $8.000000000e+00, v41  }
0x8d: {  	[tilespmem:v42+s15+$0x0] =	vst.idx.msk $0xffff, v40;
	v28 =	vmul.f32 $8.000000000e+00, v52  }
0x8e: {  	v59 =	vmul.f32 $8.000000000e+00, v36;
	v31 =	vld.idx.msk [tilespmem:v31+s11+$0x0], $0xffff;
	[tilespmem:v23+s15+$0x0] =	vst.idx.msk $0xffff, v56;
	v58 =	vmul.f32 $8.000000000e+00, v26  }
0x8f: {  	v60 =	vor.u32 v20, v19;
	v18 =	vor.u32 v15, v18;
	v29 =	vld.idx.msk [tilespmem:v29+s11+$0x0], $0xffff;
	[tilespmem:v43+s15+$0x0] =	vst.idx.msk $0xffff, v28  }
0x90: {  	v62 =	vor.u32 v20, v25;
	v61 =	vor.u32 v17, v60;
	v63 =	vld.idx.msk [tilespmem:v55+s11+$0x0], $0xffff;
	[tilespmem:v27+s15+$0x0] =	vst.idx.msk $0xffff, v58  }
0x91: {  	v38 =	vor.u32 v15, v24;
	v39 =	vor.u32 v30, v62;
	v40 =	vor.u32 v20, v48;
	v22 =	vld.idx.msk [tilespmem:v57+s11+$0x0], $0xffff  }
0x92: {  	v13 =	vor.u32 v12, v13;
	v41 =	vor.u32 v20, v49;
	v27 =	vor.u32 v44, v40  }
0x93: {  	v42 =	vor.u32 v15, v32;
	v20 =	vor.u32 v51, v41;
	v31 =	vmul.f32 $8.000000000e+00, v31  }
0x94: {  	[tilespmem:v33+s15+$0x0] =	vst.idx.msk $0xffff, v59;
	v34 =	vld.idx.msk [tilespmem:v34+s11+$0x0], $0xffff;
	v46 =	vor.u32 v15, v45;
	v43 =	vmul.f32 $8.000000000e+00, v29  }
0x95: {  	v16 =	vor.u32 v12, v16;
	v47 =	vld.idx.msk [tilespmem:v35+s11+$0x0], $0xffff;
	[tilespmem:v61+s15+$0x0] =	vst.idx.msk $0xffff, v31;
	v50 =	vmul.f32 $8.000000000e+00, v63  }
0x96: {  	v13 =	vor.u32 v14, v13;
	v23 =	vld.idx.msk [tilespmem:v38+s11+$0x0], $0xffff;
	[tilespmem:v39+s15+$0x0] =	vst.idx.msk $0xffff, v43;
	v22 =	vmul.f32 $8.000000000e+00, v22  }
0x97: {  	v16 =	vor.u32 v21, v16;
	v52 =	vor.u32 v12, v19;
	v18 =	vld.idx.msk [tilespmem:v18+s11+$0x0], $0xffff;
	[tilespmem:v27+s15+$0x0] =	vst.idx.msk $0xffff, v50  }
0x98: {  	v54 =	vor.u32 v12, v25;
	v53 =	vor.u32 v17, v52;
	v55 =	vld.idx.msk [tilespmem:v42+s11+$0x0], $0xffff;
	[tilespmem:v20+s15+$0x0] =	vst.idx.msk $0xffff, v22  }
0x99: {  	v56 =	vmul.f32 $8.000000000e+00, v34;
	v17 =	vor.u32 v30, v54;
	v57 =	vor.u32 v12, v48;
	v15 =	vld.idx.msk [tilespmem:v46+s11+$0x0], $0xffff  }
0x9a: {  	s10 =	sadd.s32 $0x1, s10;
	v59 =	vor.u32 v12, v49;
	v58 =	vmul.f32 $8.000000000e+00, v47;
	v21 =	vor.u32 v44, v57  }
0x9b: {  	p1 =	sne.s32 s10, $0x8;
	[tilespmem:v13+s15+$0x0] =	vst.idx.msk $0xffff, v56;
	v12 =	vor.u32 v51, v59;
	v60 =	vmul.f32 $8.000000000e+00, v23  }
.Ltmp2:
0x9c: {  	[tilespmem:v16+s15+$0x0] =	vst.idx.msk $0xffff, v58;
	v61 =	vmul.f32 $8.000000000e+00, v18;
	(pc) =	sbr.rel @p1 .LBB2_5-.Ltmp2, $4  }
0x9d: {  	[tilespmem:v53+s15+$0x0] =	vst.idx.msk $0xffff, v60;
	v62 =	vmul.f32 $8.000000000e+00, v55  }
0x9e: {  	[tilespmem:v17+s15+$0x0] =	vst.idx.msk $0xffff, v61;
	v63 =	vmul.f32 $8.000000000e+00, v15  }
0x9f: {  	[tilespmem:v21+s15+$0x0] =	vst.idx.msk $0xffff, v62  }
0xa0: {  	[tilespmem:v12+s15+$0x0] =	vst.idx.msk $0xffff, v63  }
0xa1: {  	s0 =	sshll.u32 s5, $0x13  }
0xa2: {  	s0 =	sor.u32 s6, s0  }
0xa3: {  	s0 =	sshrl.u32 s0, $0x3  }
0xa4: {  	s0 =	sadd.s32 s2, s0  }
0xa5: {  	[hbm4b:s0+s3] =	stream.linear.scatter [tilespmem:s15], [sflag:$0x3], $0x400, $0x38;
	[tilespmem:$0x11A00] =	vst v63  }
0xa6: {  	s12 =	simm.s32 $0xA200;
	s10 =	sadd.s32 $0x1000, s0  }
0xa7: {  	[hbm4b:s10+s3] =	stream.linear.scatter [tilespmem:s12], [sflag:$0x3], $0x400, $0x38;
	[tilespmem:$0x11A00] =	vst v63  }
0xa8: {  	s16 =	sadd.s32 $0x2000, s0  }
0xa9: {  	[hbm4b:s16+s3] =	stream.linear.scatter [tilespmem:s17], [sflag:$0x3], $0x400, $0x38;
	[tilespmem:$0x11A00] =	vst v63  }
0xaa: {  	s12 =	sadd.s32 $0x3000, s0  }
0xab: {  	[hbm4b:s12+s3] =	stream.linear.scatter [tilespmem:s18], [sflag:$0x3], $0x400, $0x38;
	[tilespmem:$0x11A00] =	vst v63  }
0xac: {  	s16 =	sadd.s32 $0x4000, s0  }
0xad: {  	[hbm4b:s16+s3] =	stream.linear.scatter [tilespmem:s19], [sflag:$0x3], $0x400, $0x38;
	[tilespmem:$0x11A00] =	vst v63  }
0xae: {  	p1 =	seq.s32 s5, $0x18;
	s12 =	sadd.s32 $0x5000, s0  }
0xaf: {  	[hbm4b:s12+s3] =	stream.linear.scatter [tilespmem:s20], [sflag:$0x3], $0x400, $0x38;
	[tilespmem:$0x11A00] =	vst v63  }
.Ltmp3:
0xb0: {  	_ = 	snop;
	(pc) =	sbr.rel @!p1 .LBB2_9-.Ltmp3, $4  }
0xb1: {  	s16 =	sadd.s32 $0x6000, s0  }
0xb2: {  	[hbm4b:s16+s3] =	stream.linear.scatter [tilespmem:s21], [sflag:$0x3], $0x400, $0x38;
	[tilespmem:$0x11A00] =	vst v63  }
0xb3: {  	s0 =	sadd.s32 $0x7000, s0  }
0xb4: {  	[hbm4b:s0+s3] =	stream.linear.scatter [tilespmem:s22], [sflag:$0x3], $0x400, $0x38;
	[tilespmem:$0x11A00] =	vst v63  }
.Ltmp4:
0xb5: {  	(pc) =	sbr.rel .LBB2_12-.Ltmp4, $4  }
0xb6: {  	_ = 	snop  }
0xb7: {  	_ =	swait.ge [sflag:s14], $0x4000  }
0xb8: {  	[sflag:s14] =	ssyncset.done $0x0  }
0xb9: {  	[sflag:s14] =	ssyncadd.s32 $0xFFFFC000  }
.LBB2_9:
0xba: {  	s16 =	simm.s32 $0x0  }
0xbb: {  	v13 =	vmov s16  }
0xbc: {  	s0 =	sadd.s32 $0x2, s8;
	v13 =	vmul.u32 $0x32, v13  }
0xbd: {  	v12 =	vmov s0  }
0xbe: {  	v13 =	vadd.s32 v12, v13  }
0xbf: {  	v13 =	vbroadcast v13, $0x0  }
0xc0: {  	s10 =	simm.s32 $0x10  }
0xc1: {  	v14 =	vmov s10;
	v13 =	vadd.s32 v1, v13  }
0xc2: {  	v14 =	vmul.u32 $0x32, v14;
	_ =	sdelay $0x1  }
0xc3: {  	v14 =	vadd.s32 v12, v14  }
0xc4: {  	v14 =	vbroadcast v14, $0x0  }
0xc5: {  	s12 =	simm.s32 $0x20;
	v13 =	vld.idx.msk [tilespmem:v13+s3+$0x0], $0xffff  }
0xc6: {  	v15 =	vmov s12;
	v14 =	vadd.s32 v1, v14  }
0xc7: {  	v15 =	vmul.u32 $0x32, v15;
	_ =	sdelay $0x1  }
0xc8: {  	s0 =	simm.s32 $0x1900;
	v15 =	vadd.s32 v12, v15  }
0xc9: {  	v15 =	vbroadcast v15, $0x0;
	[tilespmem:s0+$0x0] =	vst v13  }
0xca: {  	v14 =	vld.idx.msk [tilespmem:v14+s3+$0x0], $0xffff  }
0xcb: {  	s16 =	simm.s32 $0x30;
	v13 =	vadd.s32 v1, v15  }
0xcc: {  	s8 =	simm.s32 $0x40;
	v15 =	vmov s16  }
.LBB2_10:
0xcd: {  	p1 =	sne.s32 s8, $0x70;
	v15 =	vmul.u32 $0x32, v15  }
0xce: {  	s0 =	sadd.s32 $0x10, s0  }
.Ltmp5:
0xcf: {  	v15 =	vadd.s32 v12, v15;
	[tilespmem:s0+$0x0] =	vst v14;
	(pc) =	sbr.rel @p1 .LBB2_10-.Ltmp5, $3  }
0xd0: {  	v15 =	vbroadcast v15, $0x0;
	v14 =	vld.idx.msk [tilespmem:v13+s3+$0x0], $0xffff;
	_ =	sdelay $0x1  }
0xd1: {  	v13 =	vadd.s32 v1, v15  }
0xd2: {  	v15 =	vmov s8;
	s8 =	sadd.s32 $0x10, s8  }
0xd3: {  	v15 =	vmul.u32 $0x32, v15;
	_ =	sdelay $0x1  }
0xd4: {  	s0 =	sadd.s32 $0x10, s0;
	v12 =	vadd.s32 v12, v15  }
0xd5: {  	[tilespmem:s0+$0x0] =	vst v14;
	v12 =	vbroadcast v12, $0x0  }
0xd6: {  	v13 =	vld.idx.msk [tilespmem:v13+s3+$0x0], $0xffff  }
0xd7: {  	v12 =	vadd.s32 v1, v12;
	_ =	sdelay $0x2  }
0xd8: {  	s0 =	sadd.s32 $0x10, s0  }
0xd9: {  	[tilespmem:s0+$0x0] =	vst v13  }
0xda: {  	v12 =	vld.idx.msk [tilespmem:v12+s3+$0x0], $0xffff;
	_ =	sdelay $0x3  }
0xdb: {  	s0 =	sadd.s32 $0x10, s0  }
.Ltmp6:
0xdc: {  	s16 =	simm.s32 $0x1900;
	[tilespmem:s0+$0x0] =	vst v12;
	(pc) =	sbr.rel @p0 .LBB2_13-.Ltmp6, $4  }
0xdd: {  	[tilespmem:s11], [sflag:$0x2] =	stream.indirect.gather [hbm4b:s4+s9], $0x80, s16, s9, $0xb8;
	[tilespmem:$0x11A00] =	vst v63  }
0xde: {  	_ =	swait.ge [sflag:s14], $0x4000  }
0xdf: {  	[sflag:s14] =	ssyncset.done $0x0  }
0xe0: {  	[sflag:s14] =	ssyncadd.s32 $0xFFFFC000  }
.LBB2_12:
0xe1: {  	_ =	swait.ge [sflag:s23], $0x2000  }
0xe2: {  	[sflag:s23] =	ssyncset.done $0x0  }
0xe3: {  	[sflag:s23] =	ssyncadd.s32 $0xFFFFE000  }
.LBB2_13:
0xe4: {  	s0 =	simm.s32 $0x0;
	s8 =	simm.s32 $0x0  }
.LBB2_14:
0xe5: {  	s10 =	sshll.u32 s8, $0x4  }
0xe6: {  	v33 =	vadd.s32 s0, v0;
	s12 =	simm.s32 $0x1;
	v23 =	vor.u32 s10, v0  }
0xe7: {  	v17 =	vand.u32 $0xF, v33;
	v35 =	vadd.s32 s12, v0;
	v28 =	vshll.u32 v23, $0x7  }
0xe8: {  	v25 =	vand.u32 $0xF, v35;
	v12 =	vor.u32 v28, v17  }
0xe9: {  	v15 =	vor.u32 v28, v25;
	_ =	sdelay $0x1  }
0xea: {  	v13 =	vshll.u32 v33, $0x8  }
0xeb: {  	v14 =	vshll.u32 v33, $0x7;
	v13 =	vand.u32 $0x800, v13  }
0xec: {  	v14 =	vand.u32 $0x380, v14;
	v18 =	vshll.u32 v35, $0x8;
	v16 =	vor.u32 v13, v23;
	v12 =	vld.idx.msk [tilespmem:v12+s13+$0x0], $0xffff  }
0xed: {  	v20 =	vor.u32 v14, v16;
	v16 =	vand.u32 $0x800, v18;
	v19 =	vld.idx.msk [tilespmem:v15+s13+$0x0], $0xffff;
	v15 =	vshll.u32 v35, $0x7  }
0xee: {  	v26 =	vor.u32 $0x10, v28;
	v18 =	vor.u32 v16, v23;
	v21 =	vand.u32 $0x380, v15  }
0xef: {  	v30 =	vor.u32 v26, v33;
	v32 =	vor.u32 v21, v18  }
0xf0: {  	s16 =	simm.s32 $0x2;
	v34 =	vor.u32 v26, v35  }
0xf1: {  	v24 =	vadd.s32 s16, v0;
	v12 =	vmul.f32 $8.000000000e+00, v12  }
0xf2: {  	s16 =	simm.s32 $0x3;
	v27 =	vor.u32 s10, v9;
	v31 =	vand.u32 $0xF, v24;
	v19 =	vmul.f32 $8.000000000e+00, v19  }
0xf3: {  	v22 =	vor.u32 $0x20, v28;
	v36 =	vor.u32 v28, v31;
	v18 =	vadd.s32 s16, v0;
	[tilespmem:v20+s24+$0x0] =	vst.idx.msk $0xffff, v12  }
0xf4: {  	v38 =	vshll.u32 v24, $0x7;
	v39 =	vor.u32 v22, v17;
	v29 =	vand.u32 $0xF, v18;
	[tilespmem:v32+s24+$0x0] =	vst.idx.msk $0xffff, v19;
	v30 =	vld.idx.msk [tilespmem:v30+s13+$0x0], $0xffff  }
0xf5: {  	v17 =	vor.u32 v27, v13;
	v44 =	vor.u32 v22, v25;
	v37 =	vor.u32 v28, v29;
	v32 =	vld.idx.msk [tilespmem:v34+s13+$0x0], $0xffff  }
0xf6: {  	v59 =	vor.u32 v14, v17;
	v40 =	vor.u32 v27, v16;
	v17 =	vand.u32 $0x380, v38  }
0xf7: {  	v15 =	vor.u32 $0x30, v28;
	v43 =	vor.u32 v21, v40;
	v40 =	vor.u32 v26, v24  }
0xf8: {  	v36 =	vld.idx.msk [tilespmem:v36+s13+$0x0], $0xffff;
	v35 =	vor.u32 v15, v35;
	v25 =	vshll.u32 v18, $0x8;
	v19 =	vshll.u32 v24, $0x8  }
0xf9: {  	v25 =	vand.u32 $0x800, v25;
	v19 =	vand.u32 $0x800, v19;
	v41 =	vmul.f32 $8.000000000e+00, v30  }
0xfa: {  	v60 =	vor.u32 v19, v23;
	v45 =	vld.idx.msk [tilespmem:v37+s13+$0x0], $0xffff;
	v30 =	vshll.u32 v18, $0x7;
	v47 =	vmul.f32 $8.000000000e+00, v32  }
0xfb: {  	v61 =	vor.u32 v25, v23;
	v46 =	vor.u32 v17, v60;
	v30 =	vand.u32 $0x380, v30;
	[tilespmem:v59+s24+$0x0] =	vst.idx.msk $0xffff, v41  }
0xfc: {  	v20 =	vor.u32 s10, v10;
	v42 =	vor.u32 v30, v61;
	[tilespmem:v43+s24+$0x0] =	vst.idx.msk $0xffff, v47;
	v38 =	vld.idx.msk [tilespmem:v39+s13+$0x0], $0xffff  }
0xfd: {  	v48 =	vmul.f32 $8.000000000e+00, v36;
	v62 =	vor.u32 v20, v13;
	v41 =	vor.u32 v26, v18;
	v36 =	vld.idx.msk [tilespmem:v44+s13+$0x0], $0xffff  }
0xfe: {  	s16 =	simm.s32 $0x4;
	v63 =	vor.u32 v20, v16;
	v34 =	vor.u32 v15, v33;
	v37 =	vor.u32 v14, v62  }
0xff: {  	v33 =	vor.u32 v21, v63;
	v32 =	vadd.s32 s16, v0;
	v43 =	vmul.f32 $8.000000000e+00, v45  }
0x100: {  	s12 =	simm.s32 $0x5;
	v12 =	vor.u32 s10, v11;
	s10 =	simm.s32 $0x6;
	[tilespmem:v46+s24+$0x0] =	vst.idx.msk $0xffff, v48;
	v39 =	vand.u32 $0xF, v32;
	v44 =	vshll.u32 v32, $0x7  }
.LBB2_15:
0x101: {  	p0 =	slt.u32 s10, $0xE;
	v45 =	vadd.s32 s12, v0;
	v40 =	vld.idx.msk [tilespmem:v40+s13+$0x0], $0xffff;
	v46 =	vor.u32 v22, v31;
	[tilespmem:v42+s24+$0x0] =	vst.idx.msk $0xffff, v43;
	v31 =	vmul.f32 $8.000000000e+00, v38  }
0x102: {  	v38 =	vor.u32 v28, v39;
	v36 =	vmul.f32 $8.000000000e+00, v36;
	v47 =	vmovc v30;
	v48 =	vmovc v24;
	v42 =	vand.u32 $0xF, v45;
	v41 =	vld.idx.msk [tilespmem:v41+s13+$0x0], $0xffff  }
0x103: {  	v49 =	vshll.u32 v32, $0x8;
	v43 =	vor.u32 v27, v19;
	v30 =	vor.u32 v28, v42;
	[tilespmem:v37+s24+$0x0] =	vst.idx.msk $0xffff, v31  }
0x104: {  	v50 =	vor.u32 v27, v25;
	v37 =	vor.u32 v17, v43;
	v34 =	vld.idx.msk [tilespmem:v34+s13+$0x0], $0xffff;
	[tilespmem:v33+s24+$0x0] =	vst.idx.msk $0xffff, v36  }
0x105: {  	v24 =	vmovc v32;
	v43 =	vor.u32 v47, v50;
	v33 =	vand.u32 $0x800, v49;
	v36 =	vand.u32 $0x380, v44;
	v35 =	vld.idx.msk [tilespmem:v35+s13+$0x0], $0xffff;
	v31 =	vmovc v39  }
0x106: {  	v50 =	vor.u32 v12, v13;
	v32 =	vor.u32 v33, v23;
	v39 =	vor.u32 v22, v29;
	v29 =	vmovc v42  }
0x107: {  	v13 =	vmovc v19;
	v49 =	vor.u32 v14, v50;
	v42 =	vor.u32 v12, v16;
	v44 =	vld.idx.msk [tilespmem:v38+s13+$0x0], $0xffff;
	v38 =	vmul.f32 $8.000000000e+00, v40  }
0x108: {  	v14 =	vmovc v17;
	v16 =	vshll.u32 v45, $0x8;
	v19 =	vmovc v33;
	v21 =	vor.u32 v21, v42;
	v40 =	vmul.f32 $8.000000000e+00, v41;
	v50 =	vld.idx.msk [tilespmem:v30+s13+$0x0], $0xffff  }
0x109: {  	v17 =	vmovc v36;
	v51 =	vor.u32 v36, v32;
	v52 =	vand.u32 $0x800, v16;
	v30 =	vshll.u32 v45, $0x7;
	[tilespmem:v37+s24+$0x0] =	vst.idx.msk $0xffff, v38  }
0x10a: {  	v32 =	vor.u32 v52, v23;
	v30 =	vand.u32 $0x380, v30;
	v33 =	vmul.f32 $8.000000000e+00, v34;
	v38 =	vld.idx.msk [tilespmem:v46+s13+$0x0], $0xffff;
	[tilespmem:v43+s24+$0x0] =	vst.idx.msk $0xffff, v40  }
.Ltmp7:
0x10b: {  	v16 =	vmovc v25;
	v40 =	vor.u32 v26, v24;
	v42 =	vor.u32 v30, v32;
	v34 =	vmul.f32 $8.000000000e+00, v35;
	v36 =	vld.idx.msk [tilespmem:v39+s13+$0x0], $0xffff;
	(pc) =	sbr.rel @p0 .LBB2_15-.Ltmp7, $4  }
0x10c: {  	v41 =	vor.u32 v26, v45;
	v32 =	vadd.s32 s10, v0;
	v46 =	vor.u32 v20, v13;
	[tilespmem:v49+s24+$0x0] =	vst.idx.msk $0xffff, v33  }
0x10d: {  	v37 =	vor.u32 v14, v46;
	v39 =	vor.u32 v20, v16;
	v35 =	vmul.f32 $8.000000000e+00, v44;
	[tilespmem:v21+s24+$0x0] =	vst.idx.msk $0xffff, v34  }
0x10e: {  	v25 =	vmovc v52;
	v33 =	vor.u32 v47, v39;
	v43 =	vmul.f32 $8.000000000e+00, v50;
	v34 =	vor.u32 v15, v48;
	v21 =	vmovc v47  }
0x10f: {  	s12 =	sadd.s32 $0x1, s10;
	s10 =	sadd.s32 $0x2, s10;
	v39 =	vand.u32 $0xF, v32;
	v44 =	vshll.u32 v32, $0x7;
	[tilespmem:v51+s24+$0x0] =	vst.idx.msk $0xffff, v35;
	v35 =	vor.u32 v15, v18;
	v18 =	vmovc v45  }
0x110: {  	v45 =	vadd.s32 s12, v0  }
0x111: {  	v46 =	vor.u32 v28, v39;
	v47 =	vand.u32 $0xF, v45  }
0x112: {  	v61 =	vor.u32 v28, v47;
	_ =	sdelay $0x2  }
0x113: {  	v48 =	vshll.u32 v32, $0x8  }
0x114: {  	v44 =	vand.u32 $0x380, v44;
	v48 =	vand.u32 $0x800, v48;
	v49 =	vshll.u32 v45, $0x8;
	v46 =	vld.idx.msk [tilespmem:v46+s13+$0x0], $0xffff  }
0x115: {  	v51 =	vshll.u32 v45, $0x7;
	v50 =	vor.u32 v48, v23;
	v49 =	vand.u32 $0x800, v49;
	v28 =	vld.idx.msk [tilespmem:v61+s13+$0x0], $0xffff  }
0x116: {  	v51 =	vand.u32 $0x380, v51;
	v50 =	vor.u32 v44, v50;
	v62 =	vor.u32 v49, v23  }
0x117: {  	v52 =	vor.u32 v26, v32;
	v23 =	vor.u32 v51, v62  }
0x118: {  	v63 =	vor.u32 v26, v45  }
0x119: {  	v46 =	vmul.f32 $8.000000000e+00, v46  }
0x11a: {  	[tilespmem:v42+s24+$0x0] =	vst.idx.msk $0xffff, v43;
	v40 =	vld.idx.msk [tilespmem:v40+s13+$0x0], $0xffff;
	v28 =	vmul.f32 $8.000000000e+00, v28  }
0x11b: {  	v31 =	vor.u32 v22, v31;
	v41 =	vld.idx.msk [tilespmem:v41+s13+$0x0], $0xffff;
	[tilespmem:v50+s24+$0x0] =	vst.idx.msk $0xffff, v46;
	v46 =	vor.u32 v27, v19  }
0x11c: {  	v50 =	vor.u32 v27, v25;
	v42 =	vor.u32 v17, v46;
	v52 =	vld.idx.msk [tilespmem:v52+s13+$0x0], $0xffff;
	[tilespmem:v23+s24+$0x0] =	vst.idx.msk $0xffff, v28  }
0x11d: {  	v38 =	vmul.f32 $8.000000000e+00, v38;
	v53 =	vor.u32 v27, v48;
	v23 =	vor.u32 v30, v50;
	v26 =	vld.idx.msk [tilespmem:v63+s13+$0x0], $0xffff  }
0x11e: {  	v29 =	vor.u32 v22, v29;
	v43 =	vor.u32 v44, v53;
	v54 =	vor.u32 v27, v49  }
0x11f: {  	v55 =	vor.u32 v22, v39;
	v40 =	vmul.f32 $8.000000000e+00, v40;
	v27 =	vor.u32 v51, v54  }
0x120: {  	[tilespmem:v37+s24+$0x0] =	vst.idx.msk $0xffff, v38;
	v57 =	vor.u32 v22, v47;
	v56 =	vmul.f32 $8.000000000e+00, v41  }
0x121: {  	[tilespmem:v42+s24+$0x0] =	vst.idx.msk $0xffff, v40;
	v28 =	vmul.f32 $8.000000000e+00, v52  }
0x122: {  	v59 =	vmul.f32 $8.000000000e+00, v36;
	v31 =	vld.idx.msk [tilespmem:v31+s13+$0x0], $0xffff;
	[tilespmem:v23+s24+$0x0] =	vst.idx.msk $0xffff, v56;
	v58 =	vmul.f32 $8.000000000e+00, v26  }
0x123: {  	v60 =	vor.u32 v20, v19;
	v18 =	vor.u32 v15, v18;
	v29 =	vld.idx.msk [tilespmem:v29+s13+$0x0], $0xffff;
	[tilespmem:v43+s24+$0x0] =	vst.idx.msk $0xffff, v28  }
0x124: {  	v62 =	vor.u32 v20, v25;
	v61 =	vor.u32 v17, v60;
	v63 =	vld.idx.msk [tilespmem:v55+s13+$0x0], $0xffff;
	[tilespmem:v27+s24+$0x0] =	vst.idx.msk $0xffff, v58  }
0x125: {  	v38 =	vor.u32 v15, v24;
	v39 =	vor.u32 v30, v62;
	v40 =	vor.u32 v20, v48;
	v22 =	vld.idx.msk [tilespmem:v57+s13+$0x0], $0xffff  }
0x126: {  	v13 =	vor.u32 v12, v13;
	v41 =	vor.u32 v20, v49;
	v27 =	vor.u32 v44, v40  }
0x127: {  	v42 =	vor.u32 v15, v32;
	v20 =	vor.u32 v51, v41;
	v31 =	vmul.f32 $8.000000000e+00, v31  }
0x128: {  	[tilespmem:v33+s24+$0x0] =	vst.idx.msk $0xffff, v59;
	v34 =	vld.idx.msk [tilespmem:v34+s13+$0x0], $0xffff;
	v46 =	vor.u32 v15, v45;
	v43 =	vmul.f32 $8.000000000e+00, v29  }
0x129: {  	v16 =	vor.u32 v12, v16;
	v47 =	vld.idx.msk [tilespmem:v35+s13+$0x0], $0xffff;
	[tilespmem:v61+s24+$0x0] =	vst.idx.msk $0xffff, v31;
	v50 =	vmul.f32 $8.000000000e+00, v63  }
0x12a: {  	v13 =	vor.u32 v14, v13;
	v23 =	vld.idx.msk [tilespmem:v38+s13+$0x0], $0xffff;
	[tilespmem:v39+s24+$0x0] =	vst.idx.msk $0xffff, v43;
	v22 =	vmul.f32 $8.000000000e+00, v22  }
0x12b: {  	v16 =	vor.u32 v21, v16;
	v52 =	vor.u32 v12, v19;
	v18 =	vld.idx.msk [tilespmem:v18+s13+$0x0], $0xffff;
	[tilespmem:v27+s24+$0x0] =	vst.idx.msk $0xffff, v50  }
0x12c: {  	v54 =	vor.u32 v12, v25;
	v53 =	vor.u32 v17, v52;
	v55 =	vld.idx.msk [tilespmem:v42+s13+$0x0], $0xffff;
	[tilespmem:v20+s24+$0x0] =	vst.idx.msk $0xffff, v22  }
0x12d: {  	v56 =	vmul.f32 $8.000000000e+00, v34;
	v17 =	vor.u32 v30, v54;
	v57 =	vor.u32 v12, v48;
	v15 =	vld.idx.msk [tilespmem:v46+s13+$0x0], $0xffff  }
0x12e: {  	s8 =	sadd.s32 $0x1, s8;
	v59 =	vor.u32 v12, v49;
	v58 =	vmul.f32 $8.000000000e+00, v47;
	v21 =	vor.u32 v44, v57  }
0x12f: {  	p0 =	sne.s32 s8, $0x8;
	[tilespmem:v13+s24+$0x0] =	vst.idx.msk $0xffff, v56;
	v12 =	vor.u32 v51, v59;
	v60 =	vmul.f32 $8.000000000e+00, v23  }
.Ltmp8:
0x130: {  	[tilespmem:v16+s24+$0x0] =	vst.idx.msk $0xffff, v58;
	v61 =	vmul.f32 $8.000000000e+00, v18;
	(pc) =	sbr.rel @p0 .LBB2_14-.Ltmp8, $4  }
0x131: {  	[tilespmem:v53+s24+$0x0] =	vst.idx.msk $0xffff, v60;
	v62 =	vmul.f32 $8.000000000e+00, v55  }
0x132: {  	[tilespmem:v17+s24+$0x0] =	vst.idx.msk $0xffff, v61;
	v63 =	vmul.f32 $8.000000000e+00, v15  }
0x133: {  	[tilespmem:v21+s24+$0x0] =	vst.idx.msk $0xffff, v62  }
0x134: {  	[tilespmem:v12+s24+$0x0] =	vst.idx.msk $0xffff, v63  }
0x135: {  	s0 =	sshll.u32 s7, $0x12  }
0x136: {  	s0 =	sor.u32 s6, s0  }
0x137: {  	s0 =	sshrl.u32 s0, $0x3  }
0x138: {  	s0 =	sadd.s32 s2, s0  }
0x139: {  	[hbm4b:s0+s3] =	stream.linear.scatter [tilespmem:s24], [sflag:$0x3], $0x400, $0x38;
	[tilespmem:$0x11A00] =	vst v63  }
0x13a: {  	s12 =	sadd.s32 $0x1000, s0  }
0x13b: {  	[hbm4b:s12+s3] =	stream.linear.scatter [tilespmem:s25], [sflag:$0x3], $0x400, $0x38;
	[tilespmem:$0x11A00] =	vst v63  }
0x13c: {  	s16 =	sadd.s32 $0x2000, s0  }
0x13d: {  	[hbm4b:s16+s3] =	stream.linear.scatter [tilespmem:s26], [sflag:$0x3], $0x400, $0x38;
	[tilespmem:$0x11A00] =	vst v63  }
0x13e: {  	s8 =	sadd.s32 $0x3000, s0  }
0x13f: {  	[hbm4b:s8+s3] =	stream.linear.scatter [tilespmem:s28], [sflag:$0x3], $0x400, $0x38;
	[tilespmem:$0x11A00] =	vst v63  }
0x140: {  	s5 =	sadd.s32 $0x1, s5;
	s10 =	sadd.s32 $0x4000, s0  }
0x141: {  	[hbm4b:s10+s3] =	stream.linear.scatter [tilespmem:s29], [sflag:$0x3], $0x400, $0x38;
	[tilespmem:$0x11A00] =	vst v63  }
0x142: {  	p0 =	sne.s32 s5, $0x19;
	s12 =	sadd.s32 $0x5000, s0  }
0x143: {  	[hbm4b:s12+s3] =	stream.linear.scatter [tilespmem:s30], [sflag:$0x3], $0x400, $0x38;
	[tilespmem:$0x11A00] =	vst v63  }
.Ltmp9:
0x144: {  	_ = 	snop;
	(pc) =	sbr.rel @p0 .LBB2_2-.Ltmp9, $4  }
0x145: {  	s16 =	sadd.s32 $0x6000, s0  }
0x146: {  	[hbm4b:s16+s3] =	stream.linear.scatter [tilespmem:s31], [sflag:$0x3], $0x400, $0x38;
	[tilespmem:$0x11A00] =	vst v63  }
0x147: {  	s0 =	sadd.s32 $0x7000, s0  }
0x148: {  	[hbm4b:s0+s3] =	stream.linear.scatter [tilespmem:s1], [sflag:$0x3], $0x400, $0x38;
	[tilespmem:$0x11A00] =	vst v63  }
0x149: {  	_ =	swait.ge [sflag:s23], $0x2000  }
0x14a: {  	[sflag:s23] =	ssyncset.done $0x0  }
0x14b: {  	[sflag:s23] =	ssyncadd.s32 $0xFFFFE000  }
0x14c: {  	_ =	swait.ge [sflag:s23], $0x2000  }
0x14d: {  	s5 =	rddreg [dreg:$0x5]  }
0x14e: {  	s0 =	rddreg [dreg:$0x4];
	s5 =	sadd.s32 $0x1, s5  }
0x14f: {  	p0 =	sne.s32 s5, s0  }
.Ltmp10:
0x150: {  	_ = 	snop;
	(pc) =	sbr.rel @p0 .LBB2_1-.Ltmp10, $3  }
0x151: {  	_ =	sdelay $0x1  }
0x152: {  	[sflag:s23] =	ssyncset.done $0x0  }
0x153: {  	[sflag:s23] =	ssyncadd.s32 $0xFFFFE000  }
0x154: {  	_ =	sfence.sel $0x180000  }
0x155: {  	[bflag:$0x0] =	sbarrier.arrive $0xFFFF  }
0x156: {  	_ =	strace $0x90000047  }
0x157: {  	s0 =	stileid.u32;
	[bflag:$0x2] =	sbarrier.arrive $0xFFFF  }
0x158: {  	p0 =	sne.s32 s0, $0x0;
	s0 =	rddreg [dreg:$0x2]  }
0x159: {  	s0 =	sadd.s32 @!p0 $0x100000, s0  }
0x15a: {  	[sflag:s0] =	ssyncadd.tile.s32 @!p0 $0x1;
	_ =	shalt  }
.Lfunc_end2:
_tile_overlayer_lowered:
.L_overlay_start_2:
0x15b: {  	(tag) =	ssettag $0x2  }
0x15c: {  	s0 =	rddreg [dreg:$0x0];
	s2 =	stileid.u32  }
0x15d: {  	s1 =	rddreg [dreg:$0x1];
	p0 =	sne.s32 s2, $0x0  }
0x15e: {  	s3 =	rddreg [dreg:$0x2];
	[bflag:$0x3] =	sbarrier.arrive $0xFFFF;
	s2 =	simm.s32 @!p0 $0x1C04  }
0x15f: {  	[timem:s3], [sflag:s2] =	dma.local @!p0 [hbm:s0], s1  }
0x160: {  	s0 =	simm.s32 @!p0 $0x4  }
0x161: {  	_ =	swait.ge @!p0 [sflag:s0], s1  }
0x162: {  	s1 =	ssub.s32 @!p0 $0x0, s1;
	[sflag:s0] =	ssyncset.done @!p0 $0x0  }
0x163: {  	[sflag:s0] =	ssyncadd.s32 @!p0 s1  }
0x164: {  	[bflag:$0x3] =	sbarrier.arrive $0xFFFF  }
0x165: {  	_ =	shalt  }

</sc_bundles>
